<compile_context>
chip_gen: v7x
topology: tpu7x:2x2x1
jax: 0.10.2.dev20260603
libtpu: 0.0.44.dev20260713+nightly
codegen_flags: <defaults>
</compile_context>

<pallas_src>
import functools
import numpy as np
import jax
import jax.numpy as jnp
from jax import lax
from jax.experimental import pallas as pl
from jax.experimental.pallas import tpu as pltpu
from jax.experimental.pallas import tpu_sc as plsc

N = 50000
NT = 32
S = 32
RADIUS = 1.1
B = 64
NBK = S + 2
ACC_W = B * 2 * NBK
ACC_P = ACC_W + 1
CH = 2000
NCH = N // CH
LANES = 16
VROW = 3 * LANES

_D = np.float32(2.0 * RADIUS / (S - 1))
_INV_D = np.float32(1.0 / _D)
_ROD = np.float32(RADIUS / _D)
_K2 = np.float32(500.0) * _D


def _sc_body(x0_hbm, x1_hbm, x2_hbm, idx_hbm, vcoef_hbm, cs_hbm,
             x0b, x1b, x2b, ibuf, vbuf, acc, red, sem):
    nc = 2
    wid = lax.axis_index("s") * nc + lax.axis_index("c")
    t = wid

    def fire(c):
        src = pl.ds(pl.multiple_of(c * CH, CH), CH)
        dst = pl.ds(pl.multiple_of((c % 2) * CH, CH), CH)
        pltpu.make_async_copy(x0_hbm.at[src], x0b.at[dst], sem).start()
        pltpu.make_async_copy(x1_hbm.at[src], x1b.at[dst], sem).start()
        pltpu.make_async_copy(x2_hbm.at[src], x2b.at[dst], sem).start()
        pltpu.make_async_copy(idx_hbm.at[src], ibuf.at[dst], sem).start()

    def drain(c):
        dst = pl.ds(pl.multiple_of((c % 2) * CH, CH), CH)
        pltpu.make_async_copy(x0_hbm.at[pl.ds(0, CH)], x0b.at[dst], sem).wait()
        pltpu.make_async_copy(x1_hbm.at[pl.ds(0, CH)], x1b.at[dst], sem).wait()
        pltpu.make_async_copy(x2_hbm.at[pl.ds(0, CH)], x2b.at[dst], sem).wait()
        pltpu.make_async_copy(idx_hbm.at[pl.ds(0, CH)], ibuf.at[dst], sem).wait()

    fire(0)

    voff = pl.ds(pl.multiple_of(t * VROW, VROW), VROW)
    pltpu.sync_copy(vcoef_hbm.at[voff], vbuf)
    v0 = vbuf[pl.ds(0, LANES)]
    v1 = vbuf[pl.ds(LANES, LANES)]
    v2 = vbuf[pl.ds(2 * LANES, LANES)]

    zz = jnp.zeros((LANES,), jnp.float32)

    @plsc.parallel_loop(0, ACC_W // LANES, unroll=4)
    def _zero(c):
        sl = pl.ds(pl.multiple_of(c * LANES, LANES), LANES)
        for r in range(LANES):
            acc[r, sl] = zz

    lane = lax.iota(jnp.int32, LANES)
    ones = jnp.ones((LANES,), jnp.float32)

    def chunk_body(cidx, carry):
        drain(cidx)

        @pl.when(cidx + 1 < NCH)
        def _():
            fire(cidx + 1)

        pbase = (cidx % 2) * CH

        @plsc.parallel_loop(0, CH // LANES, unroll=16)
        def _vec(i):
            sl = pl.ds(pl.multiple_of(pbase + i * LANES, LANES), LANES)
            xa = x0b[sl]
            xb = x1b[sl]
            xc = x2b[sl]
            seg = ibuf[sl]
            h = xa * v0 + xb * v1 + xc * v2
            g = h * _INV_D + _ROD
            ji = (g + np.float32(128.5)).astype(jnp.int32)
            jf = ji.astype(jnp.float32) - np.float32(128.0)
            e = jnp.exp(_K2 * (g - jf))
            sg = np.float32(1.0) / (np.float32(1.0) + e)
            jc1 = jnp.minimum(jnp.maximum(ji - 127, 0), NBK - 1)
            addr = seg * (2 * NBK) + jc1
            plsc.addupdate_scatter(acc, [lane, addr], ones)
            plsc.addupdate_scatter(acc, [lane, addr + NBK], sg)

        return carry

    lax.fori_loop(0, NCH, chunk_body, 0)

    @plsc.parallel_loop(0, ACC_W // LANES, unroll=4)
    def _red(c):
        sl = pl.ds(pl.multiple_of(c * LANES, LANES), LANES)
        sc = acc[0, sl]
        for r in range(1, LANES):
            sc = sc + acc[r, sl]
        red[sl] = sc

    ooff = pl.ds(pl.multiple_of(t * ACC_W, ACC_W), ACC_W)
    pltpu.sync_copy(red, cs_hbm.at[ooff])


_sc_hist = functools.partial(
    pl.kernel,
    out_type=jax.ShapeDtypeStruct((NT * ACC_W,), jnp.float32),
    mesh=plsc.VectorSubcoreMesh(
        core_axis_name="c", subcore_axis_name="s", num_cores=2, num_subcores=16),
    compiler_params=pltpu.CompilerParams(needs_layout_passes=False),
    scratch_types=(
        pltpu.VMEM((2 * CH,), jnp.float32),
        pltpu.VMEM((2 * CH,), jnp.float32),
        pltpu.VMEM((2 * CH,), jnp.float32),
        pltpu.VMEM((2 * CH,), jnp.int32),
        pltpu.VMEM((VROW,), jnp.float32),
        pltpu.VMEM((LANES, ACC_P), jnp.float32),
        pltpu.VMEM((ACC_W,), jnp.float32),
        pltpu.SemaphoreType.DMA,
    ),
)(_sc_body)


def _tc_finalize_body(d_ref, o_ref):
    row = lax.broadcasted_iota(jnp.int32, (S, 2 * NBK), 0)
    col = lax.broadcasted_iota(jnp.int32, (S, 2 * NBK), 1)
    cond = ((col <= row) & (col < NBK)) | (col == row + NBK + 1)
    g = jnp.where(cond, np.float32(1.0), np.float32(0.0))
    o_ref[...] = lax.dot_general(
        g, d_ref[...], (((1,), (1,)), ((), ())),
        preferred_element_type=jnp.float32)


def _tc_finalize(dmat):
    return pl.pallas_call(
        _tc_finalize_body,
        out_shape=jax.ShapeDtypeStruct((S, NT * B), jnp.float32),
    )(dmat)


def kernel(x, index, v):
    xt = jnp.transpose(x)
    x0 = jnp.reshape(xt[0], (N,))
    x1 = jnp.reshape(xt[1], (N,))
    x2 = jnp.reshape(xt[2], (N,))
    idx32 = index.astype(jnp.int32)
    vcoef = jnp.reshape(
        jnp.broadcast_to(jnp.transpose(v)[:, :, None], (NT, 3, LANES)),
        (NT * VROW,)).astype(jnp.float32)

    cs = _sc_hist(x0, x1, x2, idx32, vcoef)
    dmat = cs.reshape(NT * B, 2 * NBK)
    r = _tc_finalize(dmat)
    return jnp.transpose(r.reshape(S, NT, B), (2, 0, 1))

# --- scband reference (transcript-rebuilt; emitter-appended) ---
"""Pipeline reference for scband-ect-layer-38285338476717 (READ-ONLY COPY).

The authoritative reference and input builder live on the scoring server;
editing this copy changes nothing except your own understanding.
"""

import jax, jax.numpy as jnp
import numpy as np

N = 50000
NUM_FEATURES = 3
NUM_THETAS = 32
BUMP_STEPS = 32
R = 1.1
B = 64


def setup_inputs(seed: int = 0) -> dict:
    key = jax.random.key(seed)
    k1, k2, k3 = jax.random.split(key, 3)
    x = jax.random.normal(k1, (N, NUM_FEATURES), dtype=jnp.float32)
    index = jnp.sort(jax.random.randint(k2, (N,), 0, B, dtype=jnp.int64))
    index = index.at[-1].set(B - 1)  # pin max so out has exactly B segments
    # learned/provided directions v: [num_features, num_thetas], unit-normalized columns
    v = jax.random.normal(k3, (NUM_FEATURES, NUM_THETAS), dtype=jnp.float32)
    v = v / jnp.linalg.norm(v, axis=0, keepdims=True)
    return {"x": x, "index": index, "v": v}


def reference(x, index, v):
    # lin: [bump_steps, 1, 1]
    lin = jnp.linspace(-R, R, BUMP_STEPS, dtype=jnp.float32).reshape(-1, 1, 1)
    # node heights: [N, num_thetas]
    nh = x @ v
    # ecc: [bump_steps, N, num_thetas] (large broadcasted intermediate)
    ecc = jax.nn.sigmoid(500.0 * (lin - nh))
    # index_add along dim 1 -> out: [bump_steps, B, num_thetas]
    out = jnp.zeros((BUMP_STEPS, B, NUM_THETAS), dtype=jnp.float32)
    out = out.at[:, index, :].add(ecc)
    # movedim(0, 1) -> [B, bump_steps, num_thetas]
    return jnp.moveaxis(out, 0, 1)

if __name__ == "__main__":
    import jax
    _d = setup_inputs()
    print(jax.jit(kernel)(*tuple(_d.values())))

</pallas_src>

<mosaic_0001>
#map = affine_map<(d0, d1) -> (0)>
module attributes {stable_mosaic.version = 14 : i64} {
  func.func @_sc_body(%arg0: i32, %arg1: i32, %arg2: memref<50000xf32, #tpu.memory_space<hbm>>, %arg3: memref<50000xf32, #tpu.memory_space<hbm>>, %arg4: memref<50000xf32, #tpu.memory_space<hbm>>, %arg5: memref<50000xi32, #tpu.memory_space<hbm>>, %arg6: memref<1536xf32, #tpu.memory_space<hbm>>, %arg7: memref<139264xf32, #tpu.memory_space<hbm>>, %arg8: memref<4000xf32, #tpu.memory_space<vmem>>, %arg9: memref<4000xf32, #tpu.memory_space<vmem>>, %arg10: memref<4000xf32, #tpu.memory_space<vmem>>, %arg11: memref<4000xi32, #tpu.memory_space<vmem>>, %arg12: memref<48xf32, #tpu.memory_space<vmem>>, %arg13: memref<16x4353xf32, #tpu.memory_space<vmem>>, %arg14: memref<4352xf32, #tpu.memory_space<vmem>>, %arg15: memref<!tpu.dma_semaphore, #tpu.memory_space<semaphore_mem>>) attributes {dimension_semantics = [#tpu.dimension_semantics<core_parallel>, #tpu.dimension_semantics<subcore_parallel>], iteration_bounds = array<i64: 2, 16>, scalar_prefetch = 0 : i64, scratch_operands = 8 : i64, tpu.core_type = #tpu.core_type<sc_vector_subcore>, window_params = [{transform_indices = #map}, {transform_indices = #map}, {transform_indices = #map}, {transform_indices = #map}, {transform_indices = #map}, {transform_indices = #map}]} {
    %mul3A = arith.constant 2 : i32
    %mul3A_0 = arith.muli %arg1, %mul3A : i32
    %add3A = arith.addi %mul3A_0, %arg0 : i32
    %multiple_of3A = arith.constant 0 : i32
    %multiple_of3A_1 = tpu.assume_multiple %multiple_of3A, 2000 : i32
    %multiple_of3A_2 = arith.constant 0 : i32
    %multiple_of3A_3 = tpu.assume_multiple %multiple_of3A_2, 2000 : i32
    %dma_start3A = tpu.memref_slice %arg8[%multiple_of3A_3] : memref<4000xf32, #tpu.memory_space<vmem>> -> memref<2000xf32, #tpu.memory_space<vmem>>
    %dma_start3A_4 = tpu.memref_slice %arg2[%multiple_of3A_1] : memref<50000xf32, #tpu.memory_space<hbm>> -> memref<2000xf32, #tpu.memory_space<hbm>>
    %dma_start3A_5 = tpu.memref_slice %arg8[%multiple_of3A_3] : memref<4000xf32, #tpu.memory_space<vmem>> -> memref<2000xf32, #tpu.memory_space<vmem>>
    %dma_start3A_6 = tpu.memref_slice %arg2[%multiple_of3A_1] : memref<50000xf32, #tpu.memory_space<hbm>> -> memref<2000xf32, #tpu.memory_space<hbm>>
    tpu.enqueue_dma source(%dma_start3A_6 : memref<2000xf32, #tpu.memory_space<hbm>>) target(%dma_start3A_5 : memref<2000xf32, #tpu.memory_space<vmem>>) target_semaphore(%arg15 : memref<!tpu.dma_semaphore, #tpu.memory_space<semaphore_mem>>)
    %dma_start3A_7 = tpu.memref_slice %arg9[%multiple_of3A_3] : memref<4000xf32, #tpu.memory_space<vmem>> -> memref<2000xf32, #tpu.memory_space<vmem>>
    %dma_start3A_8 = tpu.memref_slice %arg3[%multiple_of3A_1] : memref<50000xf32, #tpu.memory_space<hbm>> -> memref<2000xf32, #tpu.memory_space<hbm>>
    %dma_start3A_9 = tpu.memref_slice %arg9[%multiple_of3A_3] : memref<4000xf32, #tpu.memory_space<vmem>> -> memref<2000xf32, #tpu.memory_space<vmem>>
    %dma_start3A_10 = tpu.memref_slice %arg3[%multiple_of3A_1] : memref<50000xf32, #tpu.memory_space<hbm>> -> memref<2000xf32, #tpu.memory_space<hbm>>
    tpu.enqueue_dma source(%dma_start3A_10 : memref<2000xf32, #tpu.memory_space<hbm>>) target(%dma_start3A_9 : memref<2000xf32, #tpu.memory_space<vmem>>) target_semaphore(%arg15 : memref<!tpu.dma_semaphore, #tpu.memory_space<semaphore_mem>>)
    %dma_start3A_11 = tpu.memref_slice %arg10[%multiple_of3A_3] : memref<4000xf32, #tpu.memory_space<vmem>> -> memref<2000xf32, #tpu.memory_space<vmem>>
    %dma_start3A_12 = tpu.memref_slice %arg4[%multiple_of3A_1] : memref<50000xf32, #tpu.memory_space<hbm>> -> memref<2000xf32, #tpu.memory_space<hbm>>
    %dma_start3A_13 = tpu.memref_slice %arg10[%multiple_of3A_3] : memref<4000xf32, #tpu.memory_space<vmem>> -> memref<2000xf32, #tpu.memory_space<vmem>>
    %dma_start3A_14 = tpu.memref_slice %arg4[%multiple_of3A_1] : memref<50000xf32, #tpu.memory_space<hbm>> -> memref<2000xf32, #tpu.memory_space<hbm>>
    tpu.enqueue_dma source(%dma_start3A_14 : memref<2000xf32, #tpu.memory_space<hbm>>) target(%dma_start3A_13 : memref<2000xf32, #tpu.memory_space<vmem>>) target_semaphore(%arg15 : memref<!tpu.dma_semaphore, #tpu.memory_space<semaphore_mem>>)
    %dma_start3A_15 = tpu.memref_slice %arg11[%multiple_of3A_3] : memref<4000xi32, #tpu.memory_space<vmem>> -> memref<2000xi32, #tpu.memory_space<vmem>>
    %dma_start3A_16 = tpu.memref_slice %arg5[%multiple_of3A_1] : memref<50000xi32, #tpu.memory_space<hbm>> -> memref<2000xi32, #tpu.memory_space<hbm>>
    %dma_start3A_17 = tpu.memref_slice %arg11[%multiple_of3A_3] : memref<4000xi32, #tpu.memory_space<vmem>> -> memref<2000xi32, #tpu.memory_space<vmem>>
    %dma_start3A_18 = tpu.memref_slice %arg5[%multiple_of3A_1] : memref<50000xi32, #tpu.memory_space<hbm>> -> memref<2000xi32, #tpu.memory_space<hbm>>
    tpu.enqueue_dma source(%dma_start3A_18 : memref<2000xi32, #tpu.memory_space<hbm>>) target(%dma_start3A_17 : memref<2000xi32, #tpu.memory_space<vmem>>) target_semaphore(%arg15 : memref<!tpu.dma_semaphore, #tpu.memory_space<semaphore_mem>>)
    %mul3A_19 = arith.constant 48 : i32
    %mul3A_20 = arith.muli %add3A, %mul3A_19 : i32
    %multiple_of3A_21 = tpu.assume_multiple %mul3A_20, 48 : i32
    "tpu.region"() ({
      %run_scoped3A = tpu.sem_alloc : memref<!tpu.dma_semaphore, #tpu.memory_space<semaphore_mem>>
      %dma_start3A_43 = tpu.memref_slice %arg6[%multiple_of3A_21] : memref<1536xf32, #tpu.memory_space<hbm>> -> memref<48xf32, #tpu.memory_space<hbm>>
      %dma_start3A_44 = tpu.memref_slice %arg6[%multiple_of3A_21] : memref<1536xf32, #tpu.memory_space<hbm>> -> memref<48xf32, #tpu.memory_space<hbm>>
      tpu.enqueue_dma source(%dma_start3A_44 : memref<48xf32, #tpu.memory_space<hbm>>) target(%arg12 : memref<48xf32, #tpu.memory_space<vmem>>) target_semaphore(%run_scoped3A : memref<!tpu.dma_semaphore, #tpu.memory_space<semaphore_mem>>)
      %dma_wait3A = tpu.memref_slice %arg6[%multiple_of3A_21] : memref<1536xf32, #tpu.memory_space<hbm>> -> memref<48xf32, #tpu.memory_space<hbm>>
      %dma_wait3A_45 = tpu.memref_slice %arg6[%multiple_of3A_21] : memref<1536xf32, #tpu.memory_space<hbm>> -> memref<48xf32, #tpu.memory_space<hbm>>
      tpu.wait_dma2 semaphore(%run_scoped3A : memref<!tpu.dma_semaphore, #tpu.memory_space<semaphore_mem>>) src(%dma_wait3A_45 : memref<48xf32, #tpu.memory_space<hbm>>) dst(%arg12 : memref<48xf32, #tpu.memory_space<vmem>>)
      tpu.yield
    }) : () -> ()
    %get3A = arith.constant 0 : index
    %get3A_22 = tpu.vector_load %arg12[%get3A] {strides = array<i32>} : memref<48xf32, #tpu.memory_space<vmem>>, vector<16xf32>,
    %get3A_23 = arith.constant 16 : index
    %get3A_24 = tpu.vector_load %arg12[%get3A_23] {strides = array<i32>} : memref<48xf32, #tpu.memory_space<vmem>>, vector<16xf32>,
    %get3A_25 = arith.constant 32 : index
    %get3A_26 = tpu.vector_load %arg12[%get3A_25] {strides = array<i32>} : memref<48xf32, #tpu.memory_space<vmem>>, vector<16xf32>,
    %broadcast_in_dim3A = arith.constant 0.000000e+00 : f32
    %broadcast_in_dim3A_27 = vector.broadcast %broadcast_in_dim3A : f32 to vector<16xf32>
    %parallel_loop3A = arith.constant 0 : i32
    %parallel_loop3A_28 = arith.constant 272 : i32
    %parallel_loop3A_29 = arith.constant 1 : i32
    scf.for %parallel_loop3A_43 = %parallel_loop3A to %parallel_loop3A_28 step %parallel_loop3A_29  : i32 {
      %parallel_loop3A_44 = arith.constant 16 : i32
      %parallel_loop3A_45 = arith.muli %parallel_loop3A_43, %parallel_loop3A_44 : i32
      %parallel_loop3A_46 = tpu.assume_multiple %parallel_loop3A_45, 16 : i32
      %parallel_loop3A_47 = arith.constant 0 : i32
      %parallel_loop3A_48 = arith.index_cast %parallel_loop3A_47 : i32 to index
      %parallel_loop3A_49 = arith.index_cast %parallel_loop3A_46 : i32 to index
      %parallel_loop3A_50 = tpu.vector_load %arg13[%parallel_loop3A_48, %parallel_loop3A_49] {strides = array<i32>} : memref<16x4353xf32, #tpu.memory_space<vmem>>, vector<16xf32>,
      tpu.vector_store %arg13[%parallel_loop3A_48, %parallel_loop3A_49], %broadcast_in_dim3A_27 {strides = array<i32>} : memref<16x4353xf32, #tpu.memory_space<vmem>>, vector<16xf32>,
      %parallel_loop3A_51 = arith.constant 1 : i32
      %parallel_loop3A_52 = arith.index_cast %parallel_loop3A_51 : i32 to index
      %parallel_loop3A_53 = arith.index_cast %parallel_loop3A_46 : i32 to index
      %parallel_loop3A_54 = tpu.vector_load %arg13[%parallel_loop3A_52, %parallel_loop3A_53] {strides = array<i32>} : memref<16x4353xf32, #tpu.memory_space<vmem>>, vector<16xf32>,
      tpu.vector_store %arg13[%parallel_loop3A_52, %parallel_loop3A_53], %broadcast_in_dim3A_27 {strides = array<i32>} : memref<16x4353xf32, #tpu.memory_space<vmem>>, vector<16xf32>,
      %parallel_loop3A_55 = arith.constant 2 : i32
      %parallel_loop3A_56 = arith.index_cast %parallel_loop3A_55 : i32 to index
      %parallel_loop3A_57 = arith.index_cast %parallel_loop3A_46 : i32 to index
      %parallel_loop3A_58 = tpu.vector_load %arg13[%parallel_loop3A_56, %parallel_loop3A_57] {strides = array<i32>} : memref<16x4353xf32, #tpu.memory_space<vmem>>, vector<16xf32>,
      tpu.vector_store %arg13[%parallel_loop3A_56, %parallel_loop3A_57], %broadcast_in_dim3A_27 {strides = array<i32>} : memref<16x4353xf32, #tpu.memory_space<vmem>>, vector<16xf32>,
      %parallel_loop3A_59 = arith.constant 3 : i32
      %parallel_loop3A_60 = arith.index_cast %parallel_loop3A_59 : i32 to index
      %parallel_loop3A_61 = arith.index_cast %parallel_loop3A_46 : i32 to index
      %parallel_loop3A_62 = tpu.vector_load %arg13[%parallel_loop3A_60, %parallel_loop3A_61] {strides = array<i32>} : memref<16x4353xf32, #tpu.memory_space<vmem>>, vector<16xf32>,
      tpu.vector_store %arg13[%parallel_loop3A_60, %parallel_loop3A_61], %broadcast_in_dim3A_27 {strides = array<i32>} : memref<16x4353xf32, #tpu.memory_space<vmem>>, vector<16xf32>,
      %parallel_loop3A_63 = arith.constant 4 : i32
      %parallel_loop3A_64 = arith.index_cast %parallel_loop3A_63 : i32 to index
      %parallel_loop3A_65 = arith.index_cast %parallel_loop3A_46 : i32 to index
      %parallel_loop3A_66 = tpu.vector_load %arg13[%parallel_loop3A_64, %parallel_loop3A_65] {strides = array<i32>} : memref<16x4353xf32, #tpu.memory_space<vmem>>, vector<16xf32>,
      tpu.vector_store %arg13[%parallel_loop3A_64, %parallel_loop3A_65], %broadcast_in_dim3A_27 {strides = array<i32>} : memref<16x4353xf32, #tpu.memory_space<vmem>>, vector<16xf32>,
      %parallel_loop3A_67 = arith.constant 5 : i32
      %parallel_loop3A_68 = arith.index_cast %parallel_loop3A_67 : i32 to index
      %parallel_loop3A_69 = arith.index_cast %parallel_loop3A_46 : i32 to index
      %parallel_loop3A_70 = tpu.vector_load %arg13[%parallel_loop3A_68, %parallel_loop3A_69] {strides = array<i32>} : memref<16x4353xf32, #tpu.memory_space<vmem>>, vector<16xf32>,
      tpu.vector_store %arg13[%parallel_loop3A_68, %parallel_loop3A_69], %broadcast_in_dim3A_27 {strides = array<i32>} : memref<16x4353xf32, #tpu.memory_space<vmem>>, vector<16xf32>,
      %parallel_loop3A_71 = arith.constant 6 : i32
      %parallel_loop3A_72 = arith.index_cast %parallel_loop3A_71 : i32 to index
      %parallel_loop3A_73 = arith.index_cast %parallel_loop3A_46 : i32 to index
      %parallel_loop3A_74 = tpu.vector_load %arg13[%parallel_loop3A_72, %parallel_loop3A_73] {strides = array<i32>} : memref<16x4353xf32, #tpu.memory_space<vmem>>, vector<16xf32>,
      tpu.vector_store %arg13[%parallel_loop3A_72, %parallel_loop3A_73], %broadcast_in_dim3A_27 {strides = array<i32>} : memref<16x4353xf32, #tpu.memory_space<vmem>>, vector<16xf32>,
      %parallel_loop3A_75 = arith.constant 7 : i32
      %parallel_loop3A_76 = arith.index_cast %parallel_loop3A_75 : i32 to index
      %parallel_loop3A_77 = arith.index_cast %parallel_loop3A_46 : i32 to index
      %parallel_loop3A_78 = tpu.vector_load %arg13[%parallel_loop3A_76, %parallel_loop3A_77] {strides = array<i32>} : memref<16x4353xf32, #tpu.memory_space<vmem>>, vector<16xf32>,
      tpu.vector_store %arg13[%parallel_loop3A_76, %parallel_loop3A_77], %broadcast_in_dim3A_27 {strides = array<i32>} : memref<16x4353xf32, #tpu.memory_space<vmem>>, vector<16xf32>,
      %parallel_loop3A_79 = arith.constant 8 : i32
      %parallel_loop3A_80 = arith.index_cast %parallel_loop3A_79 : i32 to index
      %parallel_loop3A_81 = arith.index_cast %parallel_loop3A_46 : i32 to index
      %parallel_loop3A_82 = tpu.vector_load %arg13[%parallel_loop3A_80, %parallel_loop3A_81] {strides = array<i32>} : memref<16x4353xf32, #tpu.memory_space<vmem>>, vector<16xf32>,
      tpu.vector_store %arg13[%parallel_loop3A_80, %parallel_loop3A_81], %broadcast_in_dim3A_27 {strides = array<i32>} : memref<16x4353xf32, #tpu.memory_space<vmem>>, vector<16xf32>,
      %parallel_loop3A_83 = arith.constant 9 : i32
      %parallel_loop3A_84 = arith.index_cast %parallel_loop3A_83 : i32 to index
      %parallel_loop3A_85 = arith.index_cast %parallel_loop3A_46 : i32 to index
      %parallel_loop3A_86 = tpu.vector_load %arg13[%parallel_loop3A_84, %parallel_loop3A_85] {strides = array<i32>} : memref<16x4353xf32, #tpu.memory_space<vmem>>, vector<16xf32>,
      tpu.vector_store %arg13[%parallel_loop3A_84, %parallel_loop3A_85], %broadcast_in_dim3A_27 {strides = array<i32>} : memref<16x4353xf32, #tpu.memory_space<vmem>>, vector<16xf32>,
      %parallel_loop3A_87 = arith.constant 10 : i32
      %parallel_loop3A_88 = arith.index_cast %parallel_loop3A_87 : i32 to index
      %parallel_loop3A_89 = arith.index_cast %parallel_loop3A_46 : i32 to index
      %parallel_loop3A_90 = tpu.vector_load %arg13[%parallel_loop3A_88, %parallel_loop3A_89] {strides = array<i32>} : memref<16x4353xf32, #tpu.memory_space<vmem>>, vector<16xf32>,
      tpu.vector_store %arg13[%parallel_loop3A_88, %parallel_loop3A_89], %broadcast_in_dim3A_27 {strides = array<i32>} : memref<16x4353xf32, #tpu.memory_space<vmem>>, vector<16xf32>,
      %parallel_loop3A_91 = arith.constant 11 : i32
      %parallel_loop3A_92 = arith.index_cast %parallel_loop3A_91 : i32 to index
      %parallel_loop3A_93 = arith.index_cast %parallel_loop3A_46 : i32 to index
      %parallel_loop3A_94 = tpu.vector_load %arg13[%parallel_loop3A_92, %parallel_loop3A_93] {strides = array<i32>} : memref<16x4353xf32, #tpu.memory_space<vmem>>, vector<16xf32>,
      tpu.vector_store %arg13[%parallel_loop3A_92, %parallel_loop3A_93], %broadcast_in_dim3A_27 {strides = array<i32>} : memref<16x4353xf32, #tpu.memory_space<vmem>>, vector<16xf32>,
      %parallel_loop3A_95 = arith.constant 12 : i32
      %parallel_loop3A_96 = arith.index_cast %parallel_loop3A_95 : i32 to index
      %parallel_loop3A_97 = arith.index_cast %parallel_loop3A_46 : i32 to index
      %parallel_loop3A_98 = tpu.vector_load %arg13[%parallel_loop3A_96, %parallel_loop3A_97] {strides = array<i32>} : memref<16x4353xf32, #tpu.memory_space<vmem>>, vector<16xf32>,
      tpu.vector_store %arg13[%parallel_loop3A_96, %parallel_loop3A_97], %broadcast_in_dim3A_27 {strides = array<i32>} : memref<16x4353xf32, #tpu.memory_space<vmem>>, vector<16xf32>,
      %parallel_loop3A_99 = arith.constant 13 : i32
      %parallel_loop3A_100 = arith.index_cast %parallel_loop3A_99 : i32 to index
      %parallel_loop3A_101 = arith.index_cast %parallel_loop3A_46 : i32 to index
      %parallel_loop3A_102 = tpu.vector_load %arg13[%parallel_loop3A_100, %parallel_loop3A_101] {strides = array<i32>} : memref<16x4353xf32, #tpu.memory_space<vmem>>, vector<16xf32>,
      tpu.vector_store %arg13[%parallel_loop3A_100, %parallel_loop3A_101], %broadcast_in_dim3A_27 {strides = array<i32>} : memref<16x4353xf32, #tpu.memory_space<vmem>>, vector<16xf32>,
      %parallel_loop3A_103 = arith.constant 14 : i32
      %parallel_loop3A_104 = arith.index_cast %parallel_loop3A_103 : i32 to index
      %parallel_loop3A_105 = arith.index_cast %parallel_loop3A_46 : i32 to index
      %parallel_loop3A_106 = tpu.vector_load %arg13[%parallel_loop3A_104, %parallel_loop3A_105] {strides = array<i32>} : memref<16x4353xf32, #tpu.memory_space<vmem>>, vector<16xf32>,
      tpu.vector_store %arg13[%parallel_loop3A_104, %parallel_loop3A_105], %broadcast_in_dim3A_27 {strides = array<i32>} : memref<16x4353xf32, #tpu.memory_space<vmem>>, vector<16xf32>,
      %parallel_loop3A_107 = arith.constant 15 : i32
      %parallel_loop3A_108 = arith.index_cast %parallel_loop3A_107 : i32 to index
      %parallel_loop3A_109 = arith.index_cast %parallel_loop3A_46 : i32 to index
      %parallel_loop3A_110 = tpu.vector_load %arg13[%parallel_loop3A_108, %parallel_loop3A_109] {strides = array<i32>} : memref<16x4353xf32, #tpu.memory_space<vmem>>, vector<16xf32>,
      tpu.vector_store %arg13[%parallel_loop3A_108, %parallel_loop3A_109], %broadcast_in_dim3A_27 {strides = array<i32>} : memref<16x4353xf32, #tpu.memory_space<vmem>>, vector<16xf32>,
    } {sc.loop_unroll_factor = 4 : i64, sc.parallel_access}
    %iota3A = tpu.iota {dimensions = array<i32: 0>} : vector<16xi32>
    %broadcast_in_dim3A_30 = arith.constant 1.000000e+00 : f32
    %broadcast_in_dim3A_31 = vector.broadcast %broadcast_in_dim3A_30 : f32 to vector<16xf32>
    %scan3A = arith.constant 0 : i32
    %scan3A_32 = arith.constant 0 : i32
    %scan3A_33 = arith.constant 25 : i32
    %scan3A_34 = arith.addi %scan3A_32, %scan3A_33 : i32
    %scan3A_35 = arith.constant 1 : i32
    scf.for %scan3A_43 = %scan3A_32 to %scan3A_34 step %scan3A_35  : i32 {
      %jit3A = arith.constant 2 : i32
      %eq3A = arith.constant 0 : i32
      %eq3A_44 = arith.cmpi eq, %jit3A, %eq3A : i32
      %jit3A_45 = arith.constant 1 : i32
      %select_n3A = arith.select %eq3A_44, %jit3A_45, %jit3A : i32
      %rem3A = arith.remsi %scan3A_43, %select_n3A : i32
      %ne3A = arith.constant 0 : i32
      %ne3A_46 = arith.cmpi ne, %rem3A, %ne3A : i32
      %lt3A = arith.constant 0 : i32
      %lt3A_47 = arith.cmpi slt, %rem3A, %lt3A : i32
      %lt3A_48 = arith.constant 0 : i32
      %lt3A_49 = arith.cmpi slt, %select_n3A, %lt3A_48 : i32
      %ne3A_50 = arith.xori %lt3A_47, %lt3A_49 : i1
      %and3A = arith.andi %ne3A_50, %ne3A_46 : i1
      %add3A_51 = arith.addi %rem3A, %select_n3A : i32
      %select_n3A_52 = arith.select %and3A, %add3A_51, %rem3A : i32
      %mul3A_53 = arith.constant 2000 : i32
      %mul3A_54 = arith.muli %select_n3A_52, %mul3A_53 : i32
      %multiple_of3A_55 = tpu.assume_multiple %mul3A_54, 2000 : i32
      %dma_wait3A = tpu.memref_slice %arg8[%multiple_of3A_55] : memref<4000xf32, #tpu.memory_space<vmem>> -> memref<2000xf32, #tpu.memory_space<vmem>>
      %dma_wait3A_56 = arith.constant 0 : i32
      %dma_wait3A_57 = tpu.memref_slice %arg2[%dma_wait3A_56] : memref<50000xf32, #tpu.memory_space<hbm>> -> memref<2000xf32, #tpu.memory_space<hbm>>
      %dma_wait3A_58 = tpu.memref_slice %arg8[%multiple_of3A_55] : memref<4000xf32, #tpu.memory_space<vmem>> -> memref<2000xf32, #tpu.memory_space<vmem>>
      %dma_wait3A_59 = arith.constant 0 : i32
      %dma_wait3A_60 = tpu.memref_slice %arg2[%dma_wait3A_59] : memref<50000xf32, #tpu.memory_space<hbm>> -> memref<2000xf32, #tpu.memory_space<hbm>>
      tpu.wait_dma2 semaphore(%arg15 : memref<!tpu.dma_semaphore, #tpu.memory_space<semaphore_mem>>) src(%dma_wait3A_60 : memref<2000xf32, #tpu.memory_space<hbm>>) dst(%dma_wait3A_58 : memref<2000xf32, #tpu.memory_space<vmem>>)
      %dma_wait3A_61 = tpu.memref_slice %arg9[%multiple_of3A_55] : memref<4000xf32, #tpu.memory_space<vmem>> -> memref<2000xf32, #tpu.memory_space<vmem>>
      %dma_wait3A_62 = arith.constant 0 : i32
      %dma_wait3A_63 = tpu.memref_slice %arg3[%dma_wait3A_62] : memref<50000xf32, #tpu.memory_space<hbm>> -> memref<2000xf32, #tpu.memory_space<hbm>>
      %dma_wait3A_64 = tpu.memref_slice %arg9[%multiple_of3A_55] : memref<4000xf32, #tpu.memory_space<vmem>> -> memref<2000xf32, #tpu.memory_space<vmem>>
      %dma_wait3A_65 = arith.constant 0 : i32
      %dma_wait3A_66 = tpu.memref_slice %arg3[%dma_wait3A_65] : memref<50000xf32, #tpu.memory_space<hbm>> -> memref<2000xf32, #tpu.memory_space<hbm>>
      tpu.wait_dma2 semaphore(%arg15 : memref<!tpu.dma_semaphore, #tpu.memory_space<semaphore_mem>>) src(%dma_wait3A_66 : memref<2000xf32, #tpu.memory_space<hbm>>) dst(%dma_wait3A_64 : memref<2000xf32, #tpu.memory_space<vmem>>)
      %dma_wait3A_67 = tpu.memref_slice %arg10[%multiple_of3A_55] : memref<4000xf32, #tpu.memory_space<vmem>> -> memref<2000xf32, #tpu.memory_space<vmem>>
      %dma_wait3A_68 = arith.constant 0 : i32
      %dma_wait3A_69 = tpu.memref_slice %arg4[%dma_wait3A_68] : memref<50000xf32, #tpu.memory_space<hbm>> -> memref<2000xf32, #tpu.memory_space<hbm>>
      %dma_wait3A_70 = tpu.memref_slice %arg10[%multiple_of3A_55] : memref<4000xf32, #tpu.memory_space<vmem>> -> memref<2000xf32, #tpu.memory_space<vmem>>
      %dma_wait3A_71 = arith.constant 0 : i32
      %dma_wait3A_72 = tpu.memref_slice %arg4[%dma_wait3A_71] : memref<50000xf32, #tpu.memory_space<hbm>> -> memref<2000xf32, #tpu.memory_space<hbm>>
      tpu.wait_dma2 semaphore(%arg15 : memref<!tpu.dma_semaphore, #tpu.memory_space<semaphore_mem>>) src(%dma_wait3A_72 : memref<2000xf32, #tpu.memory_space<hbm>>) dst(%dma_wait3A_70 : memref<2000xf32, #tpu.memory_space<vmem>>)
      %dma_wait3A_73 = tpu.memref_slice %arg11[%multiple_of3A_55] : memref<4000xi32, #tpu.memory_space<vmem>> -> memref<2000xi32, #tpu.memory_space<vmem>>
      %dma_wait3A_74 = arith.constant 0 : i32
      %dma_wait3A_75 = tpu.memref_slice %arg5[%dma_wait3A_74] : memref<50000xi32, #tpu.memory_space<hbm>> -> memref<2000xi32, #tpu.memory_space<hbm>>
      %dma_wait3A_76 = tpu.memref_slice %arg11[%multiple_of3A_55] : memref<4000xi32, #tpu.memory_space<vmem>> -> memref<2000xi32, #tpu.memory_space<vmem>>
      %dma_wait3A_77 = arith.constant 0 : i32
      %dma_wait3A_78 = tpu.memref_slice %arg5[%dma_wait3A_77] : memref<50000xi32, #tpu.memory_space<hbm>> -> memref<2000xi32, #tpu.memory_space<hbm>>
      tpu.wait_dma2 semaphore(%arg15 : memref<!tpu.dma_semaphore, #tpu.memory_space<semaphore_mem>>) src(%dma_wait3A_78 : memref<2000xi32, #tpu.memory_space<hbm>>) dst(%dma_wait3A_76 : memref<2000xi32, #tpu.memory_space<vmem>>)
      %add3A_79 = arith.constant 1 : i32
      %add3A_80 = arith.addi %scan3A_43, %add3A_79 : i32
      %lt3A_81 = arith.constant 25 : i32
      %lt3A_82 = arith.cmpi slt, %add3A_80, %lt3A_81 : i32
      %convert_element_type3A = arith.extui %lt3A_82 : i1 to i32
      %cond3A = arith.constant 0 : i32
      %cond3A_83 = arith.cmpi ne, %convert_element_type3A, %cond3A : i32
      scf.if %cond3A_83 {
        %add3A_105 = arith.constant 1 : i32
        %add3A_106 = arith.addi %scan3A_43, %add3A_105 : i32
        %mul3A_107 = arith.constant 2000 : i32
        %mul3A_108 = arith.muli %add3A_106, %mul3A_107 : i32
        %multiple_of3A_109 = tpu.assume_multiple %mul3A_108, 2000 : i32
        %jit3A_110 = arith.constant 2 : i32
        %eq3A_111 = arith.constant 0 : i32
        %eq3A_112 = arith.cmpi eq, %jit3A_110, %eq3A_111 : i32
        %jit3A_113 = arith.constant 1 : i32
        %select_n3A_114 = arith.select %eq3A_112, %jit3A_113, %jit3A_110 : i32
        %rem3A_115 = arith.remsi %add3A_106, %select_n3A_114 : i32
        %ne3A_116 = arith.constant 0 : i32
        %ne3A_117 = arith.cmpi ne, %rem3A_115, %ne3A_116 : i32
        %lt3A_118 = arith.constant 0 : i32
        %lt3A_119 = arith.cmpi slt, %rem3A_115, %lt3A_118 : i32
        %lt3A_120 = arith.constant 0 : i32
        %lt3A_121 = arith.cmpi slt, %select_n3A_114, %lt3A_120 : i32
        %ne3A_122 = arith.xori %lt3A_119, %lt3A_121 : i1
        %and3A_123 = arith.andi %ne3A_122, %ne3A_117 : i1
        %add3A_124 = arith.addi %rem3A_115, %select_n3A_114 : i32
        %select_n3A_125 = arith.select %and3A_123, %add3A_124, %rem3A_115 : i32
        %mul3A_126 = arith.constant 2000 : i32
        %mul3A_127 = arith.muli %select_n3A_125, %mul3A_126 : i32
        %multiple_of3A_128 = tpu.assume_multiple %mul3A_127, 2000 : i32
        %dma_start3A_129 = tpu.memref_slice %arg8[%multiple_of3A_128] : memref<4000xf32, #tpu.memory_space<vmem>> -> memref<2000xf32, #tpu.memory_space<vmem>>
        %dma_start3A_130 = tpu.memref_slice %arg2[%multiple_of3A_109] : memref<50000xf32, #tpu.memory_space<hbm>> -> memref<2000xf32, #tpu.memory_space<hbm>>
        %dma_start3A_131 = tpu.memref_slice %arg8[%multiple_of3A_128] : memref<4000xf32, #tpu.memory_space<vmem>> -> memref<2000xf32, #tpu.memory_space<vmem>>
        %dma_start3A_132 = tpu.memref_slice %arg2[%multiple_of3A_109] : memref<50000xf32, #tpu.memory_space<hbm>> -> memref<2000xf32, #tpu.memory_space<hbm>>
        tpu.enqueue_dma source(%dma_start3A_132 : memref<2000xf32, #tpu.memory_space<hbm>>) target(%dma_start3A_131 : memref<2000xf32, #tpu.memory_space<vmem>>) target_semaphore(%arg15 : memref<!tpu.dma_semaphore, #tpu.memory_space<semaphore_mem>>)
        %dma_start3A_133 = tpu.memref_slice %arg9[%multiple_of3A_128] : memref<4000xf32, #tpu.memory_space<vmem>> -> memref<2000xf32, #tpu.memory_space<vmem>>
        %dma_start3A_134 = tpu.memref_slice %arg3[%multiple_of3A_109] : memref<50000xf32, #tpu.memory_space<hbm>> -> memref<2000xf32, #tpu.memory_space<hbm>>
        %dma_start3A_135 = tpu.memref_slice %arg9[%multiple_of3A_128] : memref<4000xf32, #tpu.memory_space<vmem>> -> memref<2000xf32, #tpu.memory_space<vmem>>
        %dma_start3A_136 = tpu.memref_slice %arg3[%multiple_of3A_109] : memref<50000xf32, #tpu.memory_space<hbm>> -> memref<2000xf32, #tpu.memory_space<hbm>>
        tpu.enqueue_dma source(%dma_start3A_136 : memref<2000xf32, #tpu.memory_space<hbm>>) target(%dma_start3A_135 : memref<2000xf32, #tpu.memory_space<vmem>>) target_semaphore(%arg15 : memref<!tpu.dma_semaphore, #tpu.memory_space<semaphore_mem>>)
        %dma_start3A_137 = tpu.memref_slice %arg10[%multiple_of3A_128] : memref<4000xf32, #tpu.memory_space<vmem>> -> memref<2000xf32, #tpu.memory_space<vmem>>
        %dma_start3A_138 = tpu.memref_slice %arg4[%multiple_of3A_109] : memref<50000xf32, #tpu.memory_space<hbm>> -> memref<2000xf32, #tpu.memory_space<hbm>>
        %dma_start3A_139 = tpu.memref_slice %arg10[%multiple_of3A_128] : memref<4000xf32, #tpu.memory_space<vmem>> -> memref<2000xf32, #tpu.memory_space<vmem>>
        %dma_start3A_140 = tpu.memref_slice %arg4[%multiple_of3A_109] : memref<50000xf32, #tpu.memory_space<hbm>> -> memref<2000xf32, #tpu.memory_space<hbm>>
        tpu.enqueue_dma source(%dma_start3A_140 : memref<2000xf32, #tpu.memory_space<hbm>>) target(%dma_start3A_139 : memref<2000xf32, #tpu.memory_space<vmem>>) target_semaphore(%arg15 : memref<!tpu.dma_semaphore, #tpu.memory_space<semaphore_mem>>)
        %dma_start3A_141 = tpu.memref_slice %arg11[%multiple_of3A_128] : memref<4000xi32, #tpu.memory_space<vmem>> -> memref<2000xi32, #tpu.memory_space<vmem>>
        %dma_start3A_142 = tpu.memref_slice %arg5[%multiple_of3A_109] : memref<50000xi32, #tpu.memory_space<hbm>> -> memref<2000xi32, #tpu.memory_space<hbm>>
        %dma_start3A_143 = tpu.memref_slice %arg11[%multiple_of3A_128] : memref<4000xi32, #tpu.memory_space<vmem>> -> memref<2000xi32, #tpu.memory_space<vmem>>
        %dma_start3A_144 = tpu.memref_slice %arg5[%multiple_of3A_109] : memref<50000xi32, #tpu.memory_space<hbm>> -> memref<2000xi32, #tpu.memory_space<hbm>>
        tpu.enqueue_dma source(%dma_start3A_144 : memref<2000xi32, #tpu.memory_space<hbm>>) target(%dma_start3A_143 : memref<2000xi32, #tpu.memory_space<vmem>>) target_semaphore(%arg15 : memref<!tpu.dma_semaphore, #tpu.memory_space<semaphore_mem>>)
      } else {
      }
      %jit3A_84 = arith.constant 2 : i32
      %eq3A_85 = arith.constant 0 : i32
      %eq3A_86 = arith.cmpi eq, %jit3A_84, %eq3A_85 : i32
      %jit3A_87 = arith.constant 1 : i32
      %select_n3A_88 = arith.select %eq3A_86, %jit3A_87, %jit3A_84 : i32
      %rem3A_89 = arith.remsi %scan3A_43, %select_n3A_88 : i32
      %ne3A_90 = arith.constant 0 : i32
      %ne3A_91 = arith.cmpi ne, %rem3A_89, %ne3A_90 : i32
      %lt3A_92 = arith.constant 0 : i32
      %lt3A_93 = arith.cmpi slt, %rem3A_89, %lt3A_92 : i32
      %lt3A_94 = arith.constant 0 : i32
      %lt3A_95 = arith.cmpi slt, %select_n3A_88, %lt3A_94 : i32
      %ne3A_96 = arith.xori %lt3A_93, %lt3A_95 : i1
      %and3A_97 = arith.andi %ne3A_96, %ne3A_91 : i1
      %add3A_98 = arith.addi %rem3A_89, %select_n3A_88 : i32
      %select_n3A_99 = arith.select %and3A_97, %add3A_98, %rem3A_89 : i32
      %mul3A_100 = arith.constant 2000 : i32
      %mul3A_101 = arith.muli %select_n3A_99, %mul3A_100 : i32
      %parallel_loop3A_102 = arith.constant 0 : i32
      %parallel_loop3A_103 = arith.constant 125 : i32
      %parallel_loop3A_104 = arith.constant 1 : i32
      scf.for %parallel_loop3A_105 = %parallel_loop3A_102 to %parallel_loop3A_103 step %parallel_loop3A_104  : i32 {
        %parallel_loop3A_106 = arith.constant 16 : i32
        %parallel_loop3A_107 = arith.muli %parallel_loop3A_105, %parallel_loop3A_106 : i32
        %parallel_loop3A_108 = arith.addi %mul3A_101, %parallel_loop3A_107 : i32
        %parallel_loop3A_109 = tpu.assume_multiple %parallel_loop3A_108, 16 : i32
        %parallel_loop3A_110 = arith.index_cast %parallel_loop3A_109 : i32 to index
        %parallel_loop3A_111 = tpu.vector_load %arg8[%parallel_loop3A_110] {strides = array<i32>} : memref<4000xf32, #tpu.memory_space<vmem>>, vector<16xf32>,
        %parallel_loop3A_112 = arith.index_cast %parallel_loop3A_109 : i32 to index
        %parallel_loop3A_113 = tpu.vector_load %arg9[%parallel_loop3A_112] {strides = array<i32>} : memref<4000xf32, #tpu.memory_space<vmem>>, vector<16xf32>,
        %parallel_loop3A_114 = arith.index_cast %parallel_loop3A_109 : i32 to index
        %parallel_loop3A_115 = tpu.vector_load %arg10[%parallel_loop3A_114] {strides = array<i32>} : memref<4000xf32, #tpu.memory_space<vmem>>, vector<16xf32>,
        %parallel_loop3A_116 = arith.index_cast %parallel_loop3A_109 : i32 to index
        %parallel_loop3A_117 = tpu.vector_load %arg11[%parallel_loop3A_116] {strides = array<i32>} : memref<4000xi32, #tpu.memory_space<vmem>>, vector<16xi32>,
        %parallel_loop3A_118 = arith.mulf %parallel_loop3A_111, %get3A_22 : vector<16xf32>
        %parallel_loop3A_119 = arith.mulf %parallel_loop3A_113, %get3A_24 : vector<16xf32>
        %parallel_loop3A_120 = arith.addf %parallel_loop3A_118, %parallel_loop3A_119 : vector<16xf32>
        %parallel_loop3A_121 = arith.mulf %parallel_loop3A_115, %get3A_26 : vector<16xf32>
        %parallel_loop3A_122 = arith.addf %parallel_loop3A_120, %parallel_loop3A_121 : vector<16xf32>
        %parallel_loop3A_123 = arith.constant 14.090909 : f32
        %parallel_loop3A_124 = vector.broadcast %parallel_loop3A_123 : f32 to vector<16xf32>
        %parallel_loop3A_125 = arith.mulf %parallel_loop3A_122, %parallel_loop3A_124 : vector<16xf32>
        %parallel_loop3A_126 = arith.constant 1.550000e+01 : f32
        %parallel_loop3A_127 = vector.broadcast %parallel_loop3A_126 : f32 to vector<16xf32>
        %parallel_loop3A_128 = arith.addf %parallel_loop3A_125, %parallel_loop3A_127 : vector<16xf32>
        %parallel_loop3A_129 = arith.constant 1.285000e+02 : f32
        %parallel_loop3A_130 = vector.broadcast %parallel_loop3A_129 : f32 to vector<16xf32>
        %parallel_loop3A_131 = arith.addf %parallel_loop3A_128, %parallel_loop3A_130 : vector<16xf32>
        %parallel_loop3A_132 = arith.fptosi %parallel_loop3A_131 : vector<16xf32> to vector<16xi32>
        %parallel_loop3A_133 = arith.sitofp %parallel_loop3A_132 : vector<16xi32> to vector<16xf32>
        %parallel_loop3A_134 = arith.constant 1.280000e+02 : f32
        %parallel_loop3A_135 = vector.broadcast %parallel_loop3A_134 : f32 to vector<16xf32>
        %parallel_loop3A_136 = arith.subf %parallel_loop3A_133, %parallel_loop3A_135 : vector<16xf32>
        %parallel_loop3A_137 = arith.subf %parallel_loop3A_128, %parallel_loop3A_136 : vector<16xf32>
        %parallel_loop3A_138 = arith.constant 35.4838715 : f32
        %parallel_loop3A_139 = vector.broadcast %parallel_loop3A_138 : f32 to vector<16xf32>
        %parallel_loop3A_140 = arith.mulf %parallel_loop3A_139, %parallel_loop3A_137 : vector<16xf32>
        %parallel_loop3A_141 = math.exp %parallel_loop3A_140 : vector<16xf32>
        %parallel_loop3A_142 = arith.constant 1.000000e+00 : f32
        %parallel_loop3A_143 = vector.broadcast %parallel_loop3A_142 : f32 to vector<16xf32>
        %parallel_loop3A_144 = arith.addf %parallel_loop3A_143, %parallel_loop3A_141 : vector<16xf32>
        %parallel_loop3A_145 = arith.constant 1.000000e+00 : f32
        %parallel_loop3A_146 = vector.broadcast %parallel_loop3A_145 : f32 to vector<16xf32>
        %parallel_loop3A_147 = arith.divf %parallel_loop3A_146, %parallel_loop3A_144 : vector<16xf32>
        %parallel_loop3A_148 = arith.constant 127 : i32
        %parallel_loop3A_149 = vector.broadcast %parallel_loop3A_148 : i32 to vector<16xi32>
        %parallel_loop3A_150 = arith.subi %parallel_loop3A_132, %parallel_loop3A_149 : vector<16xi32>
        %parallel_loop3A_151 = arith.constant 0 : i32
        %parallel_loop3A_152 = vector.broadcast %parallel_loop3A_151 : i32 to vector<16xi32>
        %parallel_loop3A_153 = arith.maxsi %parallel_loop3A_150, %parallel_loop3A_152 : vector<16xi32>
        %parallel_loop3A_154 = arith.constant 33 : i32
        %parallel_loop3A_155 = vector.broadcast %parallel_loop3A_154 : i32 to vector<16xi32>
        %parallel_loop3A_156 = arith.minsi %parallel_loop3A_153, %parallel_loop3A_155 : vector<16xi32>
        %parallel_loop3A_157 = arith.constant 68 : i32
        %parallel_loop3A_158 = vector.broadcast %parallel_loop3A_157 : i32 to vector<16xi32>
        %parallel_loop3A_159 = arith.muli %parallel_loop3A_117, %parallel_loop3A_158 : vector<16xi32>
        %parallel_loop3A_160 = arith.addi %parallel_loop3A_159, %parallel_loop3A_156 : vector<16xi32>
        tpu.vector_store_idx %arg13[%iota3A, %parallel_loop3A_160], %broadcast_in_dim3A_31 {add = true} : memref<16x4353xf32, #tpu.memory_space<vmem>>[vector<16xi32>, vector<16xi32>], vector<16xf32>,
        %parallel_loop3A_161 = arith.constant 34 : i32
        %parallel_loop3A_162 = vector.broadcast %parallel_loop3A_161 : i32 to vector<16xi32>
        %parallel_loop3A_163 = arith.addi %parallel_loop3A_160, %parallel_loop3A_162 : vector<16xi32>
        tpu.vector_store_idx %arg13[%iota3A, %parallel_loop3A_163], %parallel_loop3A_147 {add = true} : memref<16x4353xf32, #tpu.memory_space<vmem>>[vector<16xi32>, vector<16xi32>], vector<16xf32>,
      } {sc.loop_unroll_factor = 16 : i64, sc.parallel_access}
    }
    %scan3A_36 = arith.constant 25 : i32
    %parallel_loop3A_37 = arith.constant 0 : i32
    %parallel_loop3A_38 = arith.constant 272 : i32
    %parallel_loop3A_39 = arith.constant 1 : i32
    scf.for %parallel_loop3A_43 = %parallel_loop3A_37 to %parallel_loop3A_38 step %parallel_loop3A_39  : i32 {
      %parallel_loop3A_44 = arith.constant 16 : i32
      %parallel_loop3A_45 = arith.muli %parallel_loop3A_43, %parallel_loop3A_44 : i32
      %parallel_loop3A_46 = tpu.assume_multiple %parallel_loop3A_45, 16 : i32
      %parallel_loop3A_47 = arith.constant 0 : i32
      %parallel_loop3A_48 = arith.index_cast %parallel_loop3A_47 : i32 to index
      %parallel_loop3A_49 = arith.index_cast %parallel_loop3A_46 : i32 to index
      %parallel_loop3A_50 = tpu.vector_load %arg13[%parallel_loop3A_48, %parallel_loop3A_49] {strides = array<i32>} : memref<16x4353xf32, #tpu.memory_space<vmem>>, vector<16xf32>,
      %parallel_loop3A_51 = arith.constant 1 : i32
      %parallel_loop3A_52 = arith.index_cast %parallel_loop3A_51 : i32 to index
      %parallel_loop3A_53 = arith.index_cast %parallel_loop3A_46 : i32 to index
      %parallel_loop3A_54 = tpu.vector_load %arg13[%parallel_loop3A_52, %parallel_loop3A_53] {strides = array<i32>} : memref<16x4353xf32, #tpu.memory_space<vmem>>, vector<16xf32>,
      %parallel_loop3A_55 = arith.addf %parallel_loop3A_50, %parallel_loop3A_54 : vector<16xf32>
      %parallel_loop3A_56 = arith.constant 2 : i32
      %parallel_loop3A_57 = arith.index_cast %parallel_loop3A_56 : i32 to index
      %parallel_loop3A_58 = arith.index_cast %parallel_loop3A_46 : i32 to index
      %parallel_loop3A_59 = tpu.vector_load %arg13[%parallel_loop3A_57, %parallel_loop3A_58] {strides = array<i32>} : memref<16x4353xf32, #tpu.memory_space<vmem>>, vector<16xf32>,
      %parallel_loop3A_60 = arith.addf %parallel_loop3A_55, %parallel_loop3A_59 : vector<16xf32>
      %parallel_loop3A_61 = arith.constant 3 : i32
      %parallel_loop3A_62 = arith.index_cast %parallel_loop3A_61 : i32 to index
      %parallel_loop3A_63 = arith.index_cast %parallel_loop3A_46 : i32 to index
      %parallel_loop3A_64 = tpu.vector_load %arg13[%parallel_loop3A_62, %parallel_loop3A_63] {strides = array<i32>} : memref<16x4353xf32, #tpu.memory_space<vmem>>, vector<16xf32>,
      %parallel_loop3A_65 = arith.addf %parallel_loop3A_60, %parallel_loop3A_64 : vector<16xf32>
      %parallel_loop3A_66 = arith.constant 4 : i32
      %parallel_loop3A_67 = arith.index_cast %parallel_loop3A_66 : i32 to index
      %parallel_loop3A_68 = arith.index_cast %parallel_loop3A_46 : i32 to index
      %parallel_loop3A_69 = tpu.vector_load %arg13[%parallel_loop3A_67, %parallel_loop3A_68] {strides = array<i32>} : memref<16x4353xf32, #tpu.memory_space<vmem>>, vector<16xf32>,
      %parallel_loop3A_70 = arith.addf %parallel_loop3A_65, %parallel_loop3A_69 : vector<16xf32>
      %parallel_loop3A_71 = arith.constant 5 : i32
      %parallel_loop3A_72 = arith.index_cast %parallel_loop3A_71 : i32 to index
      %parallel_loop3A_73 = arith.index_cast %parallel_loop3A_46 : i32 to index
      %parallel_loop3A_74 = tpu.vector_load %arg13[%parallel_loop3A_72, %parallel_loop3A_73] {strides = array<i32>} : memref<16x4353xf32, #tpu.memory_space<vmem>>, vector<16xf32>,
      %parallel_loop3A_75 = arith.addf %parallel_loop3A_70, %parallel_loop3A_74 : vector<16xf32>
      %parallel_loop3A_76 = arith.constant 6 : i32
      %parallel_loop3A_77 = arith.index_cast %parallel_loop3A_76 : i32 to index
      %parallel_loop3A_78 = arith.index_cast %parallel_loop3A_46 : i32 to index
      %parallel_loop3A_79 = tpu.vector_load %arg13[%parallel_loop3A_77, %parallel_loop3A_78] {strides = array<i32>} : memref<16x4353xf32, #tpu.memory_space<vmem>>, vector<16xf32>,
      %parallel_loop3A_80 = arith.addf %parallel_loop3A_75, %parallel_loop3A_79 : vector<16xf32>
      %parallel_loop3A_81 = arith.constant 7 : i32
      %parallel_loop3A_82 = arith.index_cast %parallel_loop3A_81 : i32 to index
      %parallel_loop3A_83 = arith.index_cast %parallel_loop3A_46 : i32 to index
      %parallel_loop3A_84 = tpu.vector_load %arg13[%parallel_loop3A_82, %parallel_loop3A_83] {strides = array<i32>} : memref<16x4353xf32, #tpu.memory_space<vmem>>, vector<16xf32>,
      %parallel_loop3A_85 = arith.addf %parallel_loop3A_80, %parallel_loop3A_84 : vector<16xf32>
      %parallel_loop3A_86 = arith.constant 8 : i32
      %parallel_loop3A_87 = arith.index_cast %parallel_loop3A_86 : i32 to index
      %parallel_loop3A_88 = arith.index_cast %parallel_loop3A_46 : i32 to index
      %parallel_loop3A_89 = tpu.vector_load %arg13[%parallel_loop3A_87, %parallel_loop3A_88] {strides = array<i32>} : memref<16x4353xf32, #tpu.memory_space<vmem>>, vector<16xf32>,
      %parallel_loop3A_90 = arith.addf %parallel_loop3A_85, %parallel_loop3A_89 : vector<16xf32>
      %parallel_loop3A_91 = arith.constant 9 : i32
      %parallel_loop3A_92 = arith.index_cast %parallel_loop3A_91 : i32 to index
      %parallel_loop3A_93 = arith.index_cast %parallel_loop3A_46 : i32 to index
      %parallel_loop3A_94 = tpu.vector_load %arg13[%parallel_loop3A_92, %parallel_loop3A_93] {strides = array<i32>} : memref<16x4353xf32, #tpu.memory_space<vmem>>, vector<16xf32>,
      %parallel_loop3A_95 = arith.addf %parallel_loop3A_90, %parallel_loop3A_94 : vector<16xf32>
      %parallel_loop3A_96 = arith.constant 10 : i32
      %parallel_loop3A_97 = arith.index_cast %parallel_loop3A_96 : i32 to index
      %parallel_loop3A_98 = arith.index_cast %parallel_loop3A_46 : i32 to index
      %parallel_loop3A_99 = tpu.vector_load %arg13[%parallel_loop3A_97, %parallel_loop3A_98] {strides = array<i32>} : memref<16x4353xf32, #tpu.memory_space<vmem>>, vector<16xf32>,
      %parallel_loop3A_100 = arith.addf %parallel_loop3A_95, %parallel_loop3A_99 : vector<16xf32>
      %parallel_loop3A_101 = arith.constant 11 : i32
      %parallel_loop3A_102 = arith.index_cast %parallel_loop3A_101 : i32 to index
      %parallel_loop3A_103 = arith.index_cast %parallel_loop3A_46 : i32 to index
      %parallel_loop3A_104 = tpu.vector_load %arg13[%parallel_loop3A_102, %parallel_loop3A_103] {strides = array<i32>} : memref<16x4353xf32, #tpu.memory_space<vmem>>, vector<16xf32>,
      %parallel_loop3A_105 = arith.addf %parallel_loop3A_100, %parallel_loop3A_104 : vector<16xf32>
      %parallel_loop3A_106 = arith.constant 12 : i32
      %parallel_loop3A_107 = arith.index_cast %parallel_loop3A_106 : i32 to index
      %parallel_loop3A_108 = arith.index_cast %parallel_loop3A_46 : i32 to index
      %parallel_loop3A_109 = tpu.vector_load %arg13[%parallel_loop3A_107, %parallel_loop3A_108] {strides = array<i32>} : memref<16x4353xf32, #tpu.memory_space<vmem>>, vector<16xf32>,
      %parallel_loop3A_110 = arith.addf %parallel_loop3A_105, %parallel_loop3A_109 : vector<16xf32>
      %parallel_loop3A_111 = arith.constant 13 : i32
      %parallel_loop3A_112 = arith.index_cast %parallel_loop3A_111 : i32 to index
      %parallel_loop3A_113 = arith.index_cast %parallel_loop3A_46 : i32 to index
      %parallel_loop3A_114 = tpu.vector_load %arg13[%parallel_loop3A_112, %parallel_loop3A_113] {strides = array<i32>} : memref<16x4353xf32, #tpu.memory_space<vmem>>, vector<16xf32>,
      %parallel_loop3A_115 = arith.addf %parallel_loop3A_110, %parallel_loop3A_114 : vector<16xf32>
      %parallel_loop3A_116 = arith.constant 14 : i32
      %parallel_loop3A_117 = arith.index_cast %parallel_loop3A_116 : i32 to index
      %parallel_loop3A_118 = arith.index_cast %parallel_loop3A_46 : i32 to index
      %parallel_loop3A_119 = tpu.vector_load %arg13[%parallel_loop3A_117, %parallel_loop3A_118] {strides = array<i32>} : memref<16x4353xf32, #tpu.memory_space<vmem>>, vector<16xf32>,
      %parallel_loop3A_120 = arith.addf %parallel_loop3A_115, %parallel_loop3A_119 : vector<16xf32>
      %parallel_loop3A_121 = arith.constant 15 : i32
      %parallel_loop3A_122 = arith.index_cast %parallel_loop3A_121 : i32 to index
      %parallel_loop3A_123 = arith.index_cast %parallel_loop3A_46 : i32 to index
      %parallel_loop3A_124 = tpu.vector_load %arg13[%parallel_loop3A_122, %parallel_loop3A_123] {strides = array<i32>} : memref<16x4353xf32, #tpu.memory_space<vmem>>, vector<16xf32>,
      %parallel_loop3A_125 = arith.addf %parallel_loop3A_120, %parallel_loop3A_124 : vector<16xf32>
      %parallel_loop3A_126 = arith.index_cast %parallel_loop3A_46 : i32 to index
      %parallel_loop3A_127 = tpu.vector_load %arg14[%parallel_loop3A_126] {strides = array<i32>} : memref<4352xf32, #tpu.memory_space<vmem>>, vector<16xf32>,
      tpu.vector_store %arg14[%parallel_loop3A_126], %parallel_loop3A_125 {strides = array<i32>} : memref<4352xf32, #tpu.memory_space<vmem>>, vector<16xf32>,
    } {sc.loop_unroll_factor = 4 : i64, sc.parallel_access}
    %mul3A_40 = arith.constant 4352 : i32
    %mul3A_41 = arith.muli %add3A, %mul3A_40 : i32
    %multiple_of3A_42 = tpu.assume_multiple %mul3A_41, 4352 : i32
    "tpu.region"() ({
      %run_scoped3A = tpu.sem_alloc : memref<!tpu.dma_semaphore, #tpu.memory_space<semaphore_mem>>
      %dma_start3A_43 = tpu.memref_slice %arg7[%multiple_of3A_42] : memref<139264xf32, #tpu.memory_space<hbm>> -> memref<4352xf32, #tpu.memory_space<hbm>>
      %dma_start3A_44 = tpu.memref_slice %arg7[%multiple_of3A_42] : memref<139264xf32, #tpu.memory_space<hbm>> -> memref<4352xf32, #tpu.memory_space<hbm>>
      tpu.enqueue_dma source(%arg14 : memref<4352xf32, #tpu.memory_space<vmem>>) target(%dma_start3A_44 : memref<4352xf32, #tpu.memory_space<hbm>>) target_semaphore(%run_scoped3A : memref<!tpu.dma_semaphore, #tpu.memory_space<semaphore_mem>>)
      %dma_wait3A = tpu.memref_slice %arg7[%multiple_of3A_42] : memref<139264xf32, #tpu.memory_space<hbm>> -> memref<4352xf32, #tpu.memory_space<hbm>>
      %dma_wait3A_45 = tpu.memref_slice %arg7[%multiple_of3A_42] : memref<139264xf32, #tpu.memory_space<hbm>> -> memref<4352xf32, #tpu.memory_space<hbm>>
      tpu.wait_dma2 semaphore(%run_scoped3A : memref<!tpu.dma_semaphore, #tpu.memory_space<semaphore_mem>>) src(%arg14 : memref<4352xf32, #tpu.memory_space<vmem>>) dst(%dma_wait3A_45 : memref<4352xf32, #tpu.memory_space<hbm>>)
      tpu.yield
    }) : () -> ()
    return
  }
}

module attributes {stable_mosaic.version = 14 : i64} {
  func.func @_tc_finalize_body(%arg0: memref<2048x68xf32, #tpu.memory_space<vmem>>, %arg1: memref<32x2048xf32, #tpu.memory_space<vmem>>) attributes {dimension_semantics = [], scalar_prefetch = 0 : i64, scratch_operands = 0 : i64, tpu.core_type = #tpu.core_type<tc>} {
    %iota3A = tpu.iota {dimensions = array<i32: 0>} : vector<32x68xi32>
    %iota3A_0 = tpu.iota {dimensions = array<i32: 1>} : vector<32x68xi32>
    %le3A = arith.cmpi sle, %iota3A_0, %iota3A : vector<32x68xi32>
    %lt3A = arith.constant 34 : i32
    %lt3A_1 = vector.broadcast %lt3A : i32 to vector<32x68xi32>
    %lt3A_2 = arith.cmpi slt, %iota3A_0, %lt3A_1 : vector<32x68xi32>
    %and3A = arith.andi %le3A, %lt3A_2 : vector<32x68xi1>
    %add3A = arith.constant 34 : i32
    %add3A_3 = vector.broadcast %add3A : i32 to vector<32x68xi32>
    %add3A_4 = arith.addi %iota3A, %add3A_3 : vector<32x68xi32>
    %add3A_5 = arith.constant 1 : i32
    %add3A_6 = vector.broadcast %add3A_5 : i32 to vector<32x68xi32>
    %add3A_7 = arith.addi %add3A_4, %add3A_6 : vector<32x68xi32>
    %eq3A = arith.cmpi eq, %iota3A_0, %add3A_7 : vector<32x68xi32>
    %or3A = arith.ori %and3A, %eq3A : vector<32x68xi1>
    %jit3A = arith.constant 1.000000e+00 : f32
    %jit3A_8 = arith.constant 0.000000e+00 : f32
    %broadcast_in_dim3A = vector.broadcast %jit3A : f32 to vector<32x68xf32>
    %broadcast_in_dim3A_9 = vector.broadcast %jit3A_8 : f32 to vector<32x68xf32>
    %select_n3A = arith.select %or3A, %broadcast_in_dim3A, %broadcast_in_dim3A_9 : vector<32x68xi1>, vector<32x68xf32>
    %get3A = arith.constant 0 : index
    %get3A_10 = arith.constant 0 : index
    %get3A_11 = vector.load %arg0[%get3A, %get3A_10] : memref<2048x68xf32, #tpu.memory_space<vmem>>, vector<2048x68xf32>
    %dot_general3A = arith.constant dense<0.000000e+00> : vector<32x2048xf32>
    %dot_general3A_12 = tpu.matmul %select_n3A, %get3A_11, %dot_general3A {dimension_numbers = #tpu.dot_dimension_numbers<[1], [1], [0], [0], [0, 0, 1, 0], [], []>, transpose_lhs_hint = false} : vector<32x68xf32>, vector<2048x68xf32>, vector<32x2048xf32> -> vector<32x2048xf32>
    %swap3A = arith.constant 0 : index
    %swap3A_13 = arith.constant 0 : index
    %swap3A_14 = vector.load %arg1[%swap3A, %swap3A_13] : memref<32x2048xf32, #tpu.memory_space<vmem>>, vector<32x2048xf32>
    tpu.vector_store %arg1[%swap3A, %swap3A_13], %dot_general3A_12 {strides = array<i32>} : memref<32x2048xf32, #tpu.memory_space<vmem>>, vector<32x2048xf32>,
    return
  }
}

</mosaic_0001>

<sc_bundles>
// kernel: kernel.4.cloned.1.call-start
scs
__scs_entry_jumppad:
0x0: {  	(pc) =	sbr.rel $0x88, $3  }
0x1: {  	(tag) =	ssettag $0x0;
	lr =	simm.s32 $0x1  }
0x2: {  	[smem:$0x3F9E] =	sst lr;
	_ =	strace $0xD0000000  }
0x3: {  	_ = 	snop  }
0x4: {  	_ = 	snop  }
0x5: {  	_ = 	snop  }
0x6: {  	_ = 	snop  }
0x7: {  	_ = 	snop  }
__scs_overlays_trampoline_lowered:
0x8: {  	[smem:$0x3FAD] =	sst s0  }
0x9: {  	[smem:$0x3FAE] =	sst s1  }
0xa: {  	[smem:$0x3FAF] =	sst s2  }
0xb: {  	[smem:$0x3FB0] =	sst s3  }
0xc: {  	[smem:$0x3FB1] =	sst s4  }
0xd: {  	[smem:$0x3FB2] =	sst s5  }
0xe: {  	[smem:$0x3FB3] =	sst s6  }
0xf: {  	[smem:$0x3FB4] =	sst s7  }
0x10: {  	[smem:$0x3FB5] =	sst s8  }
0x11: {  	[smem:$0x3FB6] =	sst s9;
	s0 =	simm.s32 @!p0 $0x0  }
0x12: {  	s1 =	sld [smem:$0x3F9C];
	s0 =	simm.s32 @p0 $0x1  }
0x13: {  	[smem:$0x3FB7] =	sst s0;
	s0 =	simm.s32 @!p1 $0x0  }
0x14: {  	s2 =	sld [smem:$0x3F9B];
	s0 =	simm.s32 @p1 $0x1  }
0x15: {  	[smem:$0x3FB8] =	sst s0;
	s0 =	simm.s32 @!p2 $0x0  }
0x16: {  	s3 =	sld [smem:$0x3FDB];
	s0 =	simm.s32 @p2 $0x1  }
0x17: {  	s4 =	simm.s32 $0x1BF5;
	[smem:$0x3FBA] =	sst s0  }
0x18: {  	s0 =	sld [smem:$0x3F9D];
	_ =	swait.ge [sflag:s4], $0x0  }
0x19: {  	s7 =	sld [smem:$0x3F9E]  }
0x1a: {  	s8 =	sadd.s32 $0xFFFFE003, lr  }
0x1b: {  	s9 =	sadd.s32 $0xFFFFFEF7, lr;
	s5 =	simm.s32 $0xFFFFFFFF;
	p2 =	slt.u32 s8, $0xFFFFF086  }
0x1c: {  	p1 =	slt.u32 s9, $0xF7A;
	s5 =	simm.s32 @!p2 $0x0  }
0x1d: {  	s5 =	simm.s32 @p1 $0x1;
	p0 =	seq.s32 s7, s2  }
0x1e: {  	s7 =	smul.u32 @!p0 $0xF7A, s2;
	p2 =	seq.s32 @!p0 s5, $0x0  }
0x1f: {  	s9 =	smul.u32 $0xF7A, s1;
	s8 =	simm.s32 @!p0 $0x1BF5;
	p2 =	por !p2, p0  }
0x20: {  	[sflag:s8] =	ssyncset.s32 @!p0 $0xFFFFF086;
	s6 =	sadd.s32 @!p0 s3, s7;
	s7 =	simm.s32 @!p0 $0x108  }
0x21: {  	s3 =	sadd.s32 s3, s9;
	s6 =	sadd.s32 @!p0 $0x88, s6;
	s7 =	simm.s32 @p2 $0x1082  }
0x22: {  	[simem:s7], [sflag:s8] =	dma.local @!p0 [hbm:s6], $0xF7A  }
0x23: {  	s9 =	sor.u32 $0xD0000000, s2;
	s6 =	simm.s32 $0x108;
	_ =	swait.ge @!p0 [sflag:s8], $0x0  }
0x24: {  	s3 =	sadd.s32 $0x88, s3;
	s6 =	simm.s32 @!p1 $0x1082;
	[sflag:s4] =	ssyncset.s32 $0xFFFFF086  }
0x25: {  	[simem:s6], [sflag:s4] =	dma.local [hbm:s3], $0xF7A  }
0x26: {  	[smem:$0x3F9E] =	sst s1;
	(tag) =	ssettag s2;
	_ =	strace s9  }
0x27: {  	s1 =	sld [smem:$0x3FAE]  }
0x28: {  	s2 =	sld [smem:$0x3FAF]  }
0x29: {  	s4 =	sld [smem:$0x3FB1]  }
0x2a: {  	p0 =	seq.s32 s5, $0x0;
	s5 =	sld [smem:$0x3FB2]  }
0x2b: {  	s6 =	sld [smem:$0x3FB3]  }
0x2c: {  	s7 =	sld [smem:$0x3FB4]  }
0x2d: {  	s3 =	simm.s32 $0x108;
	s8 =	sld [smem:$0x3FB5]  }
0x2e: {  	s3 =	simm.s32 @!p0 $0x1082;
	s9 =	sld [smem:$0x3FB6]  }
0x2f: {  	lr =	sadd.s32 s0, s3;
	s0 =	sld [smem:$0x3FAD]  }
0x30: {  	s3 =	sld [smem:$0x3FB0]  }
0x31: {  	[smem:$0x3FB9] =	sst s10  }
0x32: {  	s10 =	sld [smem:$0x3FB7];
	_ =	sdelay $0x3  }
0x33: {  	p0 =	seq.s32 s10, $0x1;
	s10 =	sld [smem:$0x3FB9];
	_ =	sdelay $0x3  }
0x34: {  	[smem:$0x3FB9] =	sst s10  }
0x35: {  	s10 =	sld [smem:$0x3FB8];
	_ =	sdelay $0x3  }
0x36: {  	p1 =	seq.s32 s10, $0x1;
	s10 =	sld [smem:$0x3FB9];
	_ =	sdelay $0x3  }
0x37: {  	[smem:$0x3FB9] =	sst s10  }
0x38: {  	s10 =	sld [smem:$0x3FBA]  }
0x39: {  	_ = 	snop;
	(pc) =	sbr.ind lr, $3  }
0x3a: {  	_ = 	snop  }
0x3b: {  	_ = 	snop  }
0x3c: {  	p2 =	seq.s32 s10, $0x1;
	s10 =	sld [smem:$0x3FB9]  }
0x3d: {  	_ =	shalt  }
0x3e: {  	_ =	shalt  }
0x3f: {  	_ =	shalt  }
0x40: {  	_ =	shalt  }
0x41: {  	_ =	shalt  }
0x42: {  	_ =	shalt  }
0x43: {  	_ =	shalt  }
0x44: {  	_ =	shalt  }
0x45: {  	_ =	shalt  }
0x46: {  	_ =	shalt  }
0x47: {  	_ =	shalt  }
0x48: {  	_ =	shalt  }
0x49: {  	_ =	shalt  }
0x4a: {  	_ =	shalt  }
0x4b: {  	_ =	shalt  }
0x4c: {  	_ =	shalt  }
0x4d: {  	_ =	shalt  }
0x4e: {  	_ =	shalt  }
0x4f: {  	_ =	shalt  }
0x50: {  	_ =	shalt  }
0x51: {  	_ =	shalt  }
0x52: {  	_ =	shalt  }
0x53: {  	_ =	shalt  }
0x54: {  	_ =	shalt  }
0x55: {  	_ =	shalt  }
0x56: {  	_ =	shalt  }
0x57: {  	_ =	shalt  }
0x58: {  	_ =	shalt  }
0x59: {  	_ =	shalt  }
0x5a: {  	_ =	shalt  }
0x5b: {  	_ =	shalt  }
0x5c: {  	_ =	shalt  }
0x5d: {  	_ =	shalt  }
0x5e: {  	_ =	shalt  }
0x5f: {  	_ =	shalt  }
0x60: {  	_ =	shalt  }
0x61: {  	_ =	shalt  }
0x62: {  	_ =	shalt  }
0x63: {  	_ =	shalt  }
0x64: {  	_ =	shalt  }
0x65: {  	_ =	shalt  }
0x66: {  	_ =	shalt  }
0x67: {  	_ =	shalt  }
0x68: {  	_ =	shalt  }
0x69: {  	_ =	shalt  }
0x6a: {  	_ =	shalt  }
0x6b: {  	_ =	shalt  }
0x6c: {  	_ =	shalt  }
0x6d: {  	_ =	shalt  }
0x6e: {  	_ =	shalt  }
0x6f: {  	_ =	shalt  }
0x70: {  	_ =	shalt  }
0x71: {  	_ =	shalt  }
0x72: {  	_ =	shalt  }
0x73: {  	_ =	shalt  }
0x74: {  	_ =	shalt  }
0x75: {  	_ =	shalt  }
0x76: {  	_ =	shalt  }
0x77: {  	_ =	shalt  }
0x78: {  	_ =	shalt  }
0x79: {  	_ =	shalt  }
0x7a: {  	_ =	shalt  }
0x7b: {  	_ =	shalt  }
0x7c: {  	_ =	shalt  }
0x7d: {  	_ =	shalt  }
0x7e: {  	_ =	shalt  }
0x7f: {  	_ =	shalt  }
0x80: {  	_ =	shalt  }
0x81: {  	_ =	shalt  }
0x82: {  	_ =	shalt  }
0x83: {  	_ =	shalt  }
0x84: {  	_ =	shalt  }
0x85: {  	_ =	shalt  }
0x86: {  	_ =	shalt  }
0x87: {  	_ =	shalt  }
.Lfunc_end0:
.L_simem_size_0:
called_computation_lowered:
.L_overlay_start_0:
0x88: {  	s2 =	sld [smem:$0x3FD9]  }
0x89: {  	s3 =	sld [smem:$0x3FFE];
	_ =	sdelay $0x1  }
0x8a: {  	s1 =	srdreg.scid  }
0x8b: {  	s0 =	sand.u32 $0x1, s1  }
0x8c: {  	s17 =	sshll.u32 s0, $0xA;
	s2 =	sadd.s32 s3, s2  }
0x8d: {  	s2 =	sadd.s32 s2, s17  }
0x8e: {  	[smem:$0x3FC5] =	sst s2  }
0x8f: {  	_ = 	snop  }
0x90: {  	s2 =	sld [smem:$0x3FC8]  }
0x91: {  	s18 =	sld [smem:$0x3FD0];
	(tm) =	ssettm $0x1  }
0x92: {  	s4 =	sld [smem:$0x3FFB];
	_ =	sdelay $0x3  }
0x93: {  	_ =	strace s4  }
0x94: {  	s4 =	sld [smem:$0x3FFC];
	_ =	sdelay $0x3  }
0x95: {  	_ =	strace s4  }
0x96: {  	s4 =	sld [smem:$0x3FFD];
	_ =	sdelay $0x3  }
0x97: {  	_ =	strace s4  }
0x98: {  	_ =	strace $0x8FFFFFFF  }
0x99: {  	s19 =	sld [smem:$0x3FDB];
	_ =	sdelay $0x1  }
0x9a: {  	s5 =	simm.s32 $_scs_section_size  }
0x9b: {  	s6 =	simm.s32 $_size__tile_overlayer_lowered;
	s7 =	simm.s32 $_tile_overlayer_lowered  }
0x9c: {  	s22 =	simm.s32 $0x1BFF;
	s21 =	sshll.u32 s7, $0x1;
	s4 =	sadd.s32 s5, s19  }
0x9d: {  	s8 =	simm.s32 $0x0;
	s20 =	sshll.u32 s6, $0x1;
	s6 =	sadd.s32 s21, s4  }
0x9e: {  	[timem:s8], [sflag:s22] =	dma.local [hbm:s6], s20  }
0x9f: {  	_ =	swait.ge [sflag:s22], s20  }
0xa0: {  	s5 =	ssub.s32 $0x0, s20;
	[sflag:s22] =	ssyncset.done $0x0  }
0xa1: {  	[sflag:s22] =	ssyncadd.s32 s5;
	_ =	sdelay $0x1  }
0xa2: {  	s23 =	simm.s32 $0x1B8B  }
0xa3: {  	_ =	swait.ge [sflag:s23], $0x1  }
0xa4: {  	[sflag:s23] =	ssyncset.done $0x0  }
0xa5: {  	s25 =	simm.s32 $0x1B8E;
	s24 =	sld [smem:$0x3FFE];
	[sflag:s23] =	ssyncadd.s32 $0xFFFFFFFF  }
0xa6: {  	s26 =	simm.s32 $execute0_lowered;
	[smem:$0x3FD2] =	sst s25  }
0xa7: {  	s6 =	sshll.u32 s26, $0x1;
	_ =	strace $0x80000046;
	[dreg:$0x1] =	wrdreg $0xFFFFFFFF  }
0xa8: {  	s28 =	simm.s32 $_size_execute0_lowered;
	s4 =	sadd.s32 s4, s6;
	[dreg:$0x0] =	wrdreg $0x0  }
0xa9: {  	s6 =	sshll.u32 s28, $0x1;
	[dreg:$0x2] =	wrdreg s4  }
0xaa: {  	[dreg:$0x3] =	wrdreg s6  }
0xab: {  	[dreg:$0x4] =	wrdreg $0xC0  }
0xac: {  	_ =	task [dreg:s8], $0x5FFFF  }
0xad: {  	[dreg:$0x1] =	wrdreg $0xFFFFFFFF  }
0xae: {  	[dreg:$0x0] =	wrdreg $0x60  }
0xaf: {  	[dreg:$0x2] =	wrdreg s24  }
0xb0: {  	[dreg:$0x3] =	wrdreg s18  }
0xb1: {  	[dreg:$0x4] =	wrdreg s2  }
0xb2: {  	[dreg:$0x5] =	wrdreg $0x9  }
0xb3: {  	_ =	task.clear_ibuf [dreg:s8], $0x6FFFF;
	_ =	strace $0x90000046  }
0xb4: {  	s29 =	simm.s32 $0x9;
	_ =	strace $0x80000048  }
0xb5: {  	_ =	swait.ge [sflag:s29], $0x1  }
0xb6: {  	[sflag:s29] =	ssyncadd.s32 $0xFFFFFFFF  }
0xb7: {  	_ =	strace $0x90000048  }
0xb8: {  	_ =	sfence  }
0xb9: {  	s30 =	sld [smem:$0x0];
	_ =	sdelay $0x2  }
0xba: {  	s31 =	sshll.u32 s1, $0xD;
	s1 =	sshrl.u32 s1, $0x2  }
0xbb: {  	s3 =	sand.u32 $0x4000, s31;
	s1 =	sadd.s32 s1, s30  }
0xbc: {  	s0 =	sor.u32 s3, s0;
	s1 =	sshll.u32 s1, $0x11  }
0xbd: {  	s0 =	sor.u32 s1, s0  }
0xbe: {  	s0 =	sadd.s32 $0x8F2B, s0  }
0xbf: {  	[sflag:s0] =	ssyncadd.remote.s32 $0x1  }
0xc0: {  	_ =	sfence.sel $0xFFFF  }
0xc1: {  	[dreg:$0x0] =	wrdreg $0xFFFFFFFF;
	(pc) =	sbr.abs _section_cstart, $3  }
0xc2: {  	[dreg:$0x1] =	wrdreg $0xFFFFFFFF  }
0xc3: {  	_ =	task.clear_ibuf [dreg:s8], $0x2FFFF;
	_ =	strace $0x9FFFFFFF  }
0xc4: {  	(tm) =	ssettm $0x7FFFFFFF  }
0xc5: {  	_ =	shalt  }
tec
execute0_lowered:
.L_overlay_start_1:
0x0: {  	(tag) =	ssettag $0x1  }
0x1: {  	v0 =	vimm.s32 $0x8F80;
	vm0 =	vcmask $0x300  }
0x2: {  	vm14 =	vcmask $0x704;
	v0 =	vsel vm0, $0x0, v0  }
0x3: {  	vm15 =	vcmask $0xB08;
	v0 =	vsel vm14, $0x80, v0  }
0x4: {  	s0 =	rddreg [dreg:$0x0];
	vm4 =	vcmask $0xF0C;
	v0 =	vsel vm15, $0x100, v0  }
0x5: {  	s5 =	rddreg [dreg:$0x1];
	vm5 =	vcmask $0x1310;
	v0 =	vsel vm4, $0x180, v0  }
0x6: {  	s6 =	rddreg [dreg:$0x2];
	vm6 =	vcmask $0x1714;
	v0 =	vsel vm5, $0x200, v0  }
0x7: {  	s1 =	srdreg.scid;
	s2 =	stileid.u32;
	vm7 =	vcmask $0x1B18;
	v0 =	vsel vm6, $0x280, v0  }
0x8: {  	s7 =	simm.s32 $0x0;
	vm8 =	vcmask $0x1F1C;
	s1 =	sand.u32 $0x1, s1;
	s2 =	sshll.u32 s2, $0x1;
	v0 =	vsel vm7, $0x300, v0  }
0x9: {  	vm9 =	vcmask $0x2320;
	[smem:$0x7FF] =	sst s7;
	s8 =	sadd.s32 $0x1C00, s0;
	s2 =	sor.u32 s1, s2;
	v0 =	vsel vm8, $0x380, v0  }
0xa: {  	vm10 =	vcmask $0x2724;
	s9 =	sadd.s32 $0x200, s0;
	_ =	strace $0x80000047;
	s3 =	smul.u32 $0x220, s2;
	v0 =	vsel vm9, $0x8C00, v0  }
0xb: {  	vm11 =	vcmask $0x2B28;
	s1 =	ssub.s32 $0x2, s1;
	[dreg:$0x1b] =	wrdreg s8;
	s2 =	smul.u32 $0x6, s2;
	v0 =	vsel vm10, $0x8C80, v0  }
0xc: {  	vm12 =	vcmask $0x2F2C;
	[dreg:$0x1c] =	wrdreg s9;
	s4 =	sshrl.u32 s1, $0x1;
	v0 =	vsel vm11, $0x8D00, v0  }
0xd: {  	vm13 =	vcmask $0x3330;
	s1 =	ssub.s32 s1, s4;
	s3 =	sadd.s32 s3, s0;
	s0 =	sadd.s32 s0, s2;
	v0 =	vsel vm12, $0x8D80, v0  }
0xe: {  	vm14 =	vcmask $0x3734;
	s31 =	smax.u32 s1, $0x1;
	[dreg:$0x1d] =	wrdreg s0;
	v0 =	vsel vm13, $0x8E00, v0  }
0xf: {  	vm15 =	vcmask $0x3B38;
	s30 =	sadd.s32 $0x3600, s3;
	[dreg:$0x1f] =	wrdreg s31;
	v2 =	vsel vm14, $0x8E80, v0  }
0x10: {  	v1 =	vimm.f32 $1.000000000e+00;
	s2 =	simm.s32 $0x2;
	s1 =	simm.s32 $0x0;
	[dreg:$0x1e] =	wrdreg s30;
	v0 =	vimm.f32 $0.0e+00;
	v2 =	vsel vm15, $0x8F00, v2  }
.LBB2_1:
0x11: {  	[tilespmem:s7], [sflag:$0x1] =	stream.linear.gather [hbm4b:s8+s7], $0x7D0, $0x38;
	[tilespmem:$0x16980] =	vst v63  }
0x12: {  	s0 =	simm.s32 $0x1000  }
0x13: {  	[tilespmem:s0], [sflag:$0x1] =	stream.linear.gather [hbm4b:s9+s7], $0x7D0, $0x38;
	[tilespmem:$0x16980] =	vst v63  }
0x14: {  	s21 =	simm.s32 $0x2000  }
0x15: {  	[tilespmem:s21], [sflag:$0x1] =	stream.linear.gather [hbm4b:s5+s7], $0x7D0, $0x38;
	[tilespmem:$0x16980] =	vst v63  }
0x16: {  	[smem:$0x7FD] =	sst s1;
	s22 =	simm.s32 $0x3000  }
0x17: {  	[tilespmem:s22], [sflag:$0x1] =	stream.linear.gather [hbm4b:s6+s7], $0x7D0, $0x38;
	[tilespmem:$0x16980] =	vst v63  }
0x18: {  	s23 =	rddreg [dreg:$0x1d];
	s24 =	simm.s32 $0x4000  }
0x19: {  	[tilespmem:s24], [sflag:$0x2] =	stream.linear.gather [hbm4b:s23+s7], $0x30, $0x38;
	[tilespmem:$0x16980] =	vst v63  }
0x1a: {  	_ =	swait.ge [sflag:s2], $0x30  }
0x1b: {  	[sflag:s2] =	ssyncset.done $0x0  }
0x1c: {  	s11 =	sand.u32 $0xFC00, s7;
	[sflag:s2] =	ssyncadd.s32 $0xFFFFFFD0  }
0x1d: {  	s25 =	sadd.s32 $0x4080, s11;
	s0 =	sand.u32 $0x40, s7;
	v3 =	vld [tilespmem:$0x4000]  }
0x1e: {  	s3 =	sor.u32 $0x20, s0;
	s26 =	sor.u32 s0, s25;
	v4 =	vld [tilespmem:$0x4010]  }
0x1f: {  	s4 =	sor.u32 s3, s25;
	v5 =	vld [tilespmem:$0x4020];
	[tilespmem:s26+$0x80] =	vst v0  }
0x20: {  	[tilespmem:s4+$0x80] =	vst v0  }
0x21: {  	[tilespmem:s4+$0x100] =	vst v0  }
0x22: {  	[tilespmem:s4+$0x180] =	vst v0  }
0x23: {  	[tilespmem:s26+$0x180] =	vst v0  }
0x24: {  	s12 =	sor.u32 $0x10, s0;
	[tilespmem:s26+$0x100] =	vst v0  }
0x25: {  	s28 =	sor.u32 s12, s25;
	[tilespmem:s26+$0x0] =	vst v0  }
0x26: {  	[tilespmem:s28+$0x100] =	vst v0  }
0x27: {  	[tilespmem:s4+$0x0] =	vst v0  }
0x28: {  	[tilespmem:s28+$0x80] =	vst v0  }
0x29: {  	s2 =	sor.u32 $0x30, s0;
	[tilespmem:s28+$0x0] =	vst v0  }
0x2a: {  	p0 =	por $0x0, $0x0;
	s4 =	simm.s32 $0x1;
	s29 =	sor.u32 s2, s25;
	[tilespmem:s28+$0x180] =	vst v0  }
0x2b: {  	s4 =	simm.s32 @!p0 $0x0;
	[tilespmem:s29+$0x0] =	vst v0  }
0x2c: {  	[tilespmem:s29+$0x80] =	vst v0;
	s30 =	sshll.u32 s4, $0x6  }
0x2d: {  	[tilespmem:s29+$0x100] =	vst v0;
	s1 =	sadd.s32 $0x0, s30  }
0x2e: {  	[tilespmem:s29+$0x180] =	vst v0;
	s31 =	sadd.s32 $0x10, s1;
	s26 =	sor.u32 $0x200, s1  }
0x2f: {  	s17 =	sadd.s32 $0x30, s1;
	s7 =	sor.u32 $0x200, s31;
	[tilespmem:s26+$0x4080] =	vst v0  }
0x30: {  	s20 =	sadd.s32 $0x20, s1;
	s18 =	sor.u32 $0x200, s17;
	[tilespmem:s7+$0x4080] =	vst v0  }
0x31: {  	s22 =	sor.u32 $0x200, s20;
	[tilespmem:s18+$0x4080] =	vst v0  }
0x32: {  	s28 =	sor.u32 $0x280, s1;
	[tilespmem:s22+$0x4080] =	vst v0  }
0x33: {  	s8 =	sor.u32 $0x280, s31;
	[tilespmem:s28+$0x4080] =	vst v0  }
0x34: {  	s19 =	sor.u32 $0x280, s17;
	[tilespmem:s8+$0x4080] =	vst v0  }
0x35: {  	s23 =	sor.u32 $0x280, s20;
	[tilespmem:s19+$0x4080] =	vst v0  }
0x36: {  	s30 =	sor.u32 $0x300, s1;
	[tilespmem:s23+$0x4080] =	vst v0  }
0x37: {  	s9 =	sor.u32 $0x300, s31;
	[tilespmem:s30+$0x4080] =	vst v0  }
0x38: {  	s21 =	sor.u32 $0x300, s17;
	[tilespmem:s9+$0x4080] =	vst v0  }
0x39: {  	s24 =	sor.u32 $0x300, s20;
	[tilespmem:s21+$0x4080] =	vst v0  }
0x3a: {  	s1 =	sor.u32 $0x380, s1;
	[tilespmem:s24+$0x4080] =	vst v0  }
0x3b: {  	s10 =	sor.u32 $0x380, s31;
	[tilespmem:s1+$0x4080] =	vst v0  }
0x3c: {  	s25 =	sor.u32 $0x380, s20;
	[tilespmem:s10+$0x4080] =	vst v0  }
0x3d: {  	s4 =	sadd.s32 $0xCC80, s11;
	s29 =	sor.u32 $0x380, s17;
	[tilespmem:s25+$0x4080] =	vst v0  }
0x3e: {  	s26 =	sor.u32 s0, s4;
	[tilespmem:s29+$0x4080] =	vst v0  }
0x3f: {  	s13 =	sor.u32 s12, s4;
	[tilespmem:s26+$0x0] =	vst v0  }
0x40: {  	s5 =	sadd.s32 $0xCD00, s11;
	s31 =	sor.u32 s3, s4;
	[tilespmem:s13+$0x0] =	vst v0  }
0x41: {  	s28 =	sor.u32 s0, s5;
	[tilespmem:s31+$0x0] =	vst v0  }
0x42: {  	s14 =	sor.u32 s12, s5;
	s6 =	sadd.s32 $0xCD80, s11;
	[tilespmem:s28+$0x0] =	vst v0  }
0x43: {  	s30 =	sor.u32 s0, s6;
	[tilespmem:s14+$0x0] =	vst v0  }
0x44: {  	s15 =	sor.u32 s12, s6;
	s7 =	sadd.s32 $0xCE00, s11;
	[tilespmem:s30+$0x0] =	vst v0  }
0x45: {  	s31 =	sor.u32 s0, s7;
	[tilespmem:s15+$0x0] =	vst v0  }
0x46: {  	s8 =	sadd.s32 $0xCE80, s11;
	s10 =	sor.u32 s12, s7;
	[tilespmem:s31+$0x0] =	vst v0  }
0x47: {  	s29 =	sor.u32 s0, s8;
	[tilespmem:s10+$0x0] =	vst v0  }
0x48: {  	s13 =	sor.u32 s12, s8;
	[tilespmem:s29+$0x0] =	vst v0  }
0x49: {  	s9 =	sadd.s32 $0xCF00, s11;
	s10 =	sor.u32 s3, s5;
	[tilespmem:s13+$0x0] =	vst v0  }
0x4a: {  	s14 =	sor.u32 s12, s9;
	[tilespmem:s10+$0x0] =	vst v0  }
0x4b: {  	s15 =	sadd.s32 $0xCF80, s11;
	s13 =	sor.u32 s3, s6;
	[tilespmem:s14+$0x0] =	vst v0  }
0x4c: {  	s16 =	sor.u32 s12, s15;
	[tilespmem:s13+$0x0] =	vst v0  }
0x4d: {  	s14 =	sor.u32 s2, s4;
	[tilespmem:s16+$0x0] =	vst v0  }
0x4e: {  	s22 =	sor.u32 s3, s7;
	s11 =	sadd.s32 $0xD000, s11;
	[tilespmem:s14+$0x0] =	vst v0  }
0x4f: {  	s12 =	sor.u32 s12, s11;
	[tilespmem:s22+$0x0] =	vst v0  }
0x50: {  	s16 =	sor.u32 s2, s5;
	[tilespmem:s12+$0x0] =	vst v0  }
0x51: {  	s23 =	sor.u32 s3, s8;
	[tilespmem:s16+$0x0] =	vst v0  }
0x52: {  	s17 =	sor.u32 s2, s6;
	[tilespmem:s23+$0x0] =	vst v0  }
0x53: {  	s24 =	sor.u32 s3, s9;
	[tilespmem:s17+$0x0] =	vst v0  }
0x54: {  	s18 =	sor.u32 s2, s7;
	[tilespmem:s24+$0x0] =	vst v0  }
0x55: {  	s25 =	sor.u32 s3, s15;
	[tilespmem:s18+$0x0] =	vst v0  }
0x56: {  	s19 =	sor.u32 s2, s8;
	[tilespmem:s25+$0x0] =	vst v0  }
0x57: {  	p0 =	por !p0, !p0;
	s20 =	sor.u32 s2, s9;
	[tilespmem:s19+$0x0] =	vst v0  }
0x58: {  	s21 =	sor.u32 s2, s15;
	s6 =	sor.u32 s0, s15;
	s13 =	sor.u32 s3, s11;
	[tilespmem:s20+$0x0] =	vst v0  }
0x59: {  	s2 =	sor.u32 s2, s11;
	s5 =	sor.u32 s0, s11;
	s11 =	simm.s32 $0x0;
	[tilespmem:s21+$0x0] =	vst v0  }
0x5a: {  	s22 =	simm.s32 $0x40;
	s21 =	simm.s32 $0x200;
	[tilespmem:s2+$0x0] =	vst v0;
	s2 =	sor.u32 s0, s9  }
.LBB2_2:
0x5b: {  	[tilespmem:s2+$0x0] =	vst v0  }
0x5c: {  	s8 =	sand.u32 $0xFC00, s21;
	[tilespmem:s13+$0x0] =	vst v0  }
0x5d: {  	s1 =	sand.u32 $0x40, s22;
	[tilespmem:s6+$0x0] =	vst v0;
	s17 =	sadd.s32 $0x4080, s8  }
0x5e: {  	s4 =	sor.u32 $0x20, s1;
	[tilespmem:s5+$0x0] =	vst v0;
	s7 =	sor.u32 s1, s17  }
0x5f: {  	s0 =	simm.s32 $0x1;
	s14 =	sor.u32 s4, s17;
	[tilespmem:s7+$0x80] =	vst v0  }
0x60: {  	s0 =	simm.s32 @!p0 $0x0;
	[tilespmem:s14+$0x80] =	vst v0  }
0x61: {  	s3 =	sadd.s32 $0xCE80, s8;
	s9 =	sor.u32 $0x10, s1;
	s28 =	sadd.s32 $0xCD00, s8;
	[tilespmem:s14+$0x100] =	vst v0  }
0x62: {  	s30 =	sadd.s32 $0xCD80, s8;
	s0 =	sshll.u32 s0, $0x6;
	s10 =	sor.u32 s9, s17;
	[tilespmem:s14+$0x180] =	vst v0  }
0x63: {  	s5 =	sor.u32 $0x30, s1;
	s15 =	sor.u32 s9, s3;
	s20 =	sor.u32 s4, s3;
	[tilespmem:s7+$0x180] =	vst v0  }
0x64: {  	s25 =	sor.u32 s1, s28;
	s26 =	sor.u32 s9, s28;
	[dreg:$0x12] =	wrdreg s15;
	[tilespmem:s10+$0x100] =	vst v0  }
0x65: {  	s13 =	sor.u32 s9, s30;
	s6 =	sadd.s32 s0, s21;
	[dreg:$0x6] =	wrdreg s20;
	[tilespmem:s14+$0x0] =	vst v0  }
0x66: {  	s23 =	sor.u32 s5, s3;
	s3 =	sor.u32 s1, s3;
	[dreg:$0x9] =	wrdreg s25;
	[tilespmem:s10+$0x80] =	vst v0  }
0x67: {  	s17 =	sor.u32 s5, s17;
	[dreg:$0x1a] =	wrdreg s26;
	[tilespmem:s10+$0x0] =	vst v0;
	s14 =	sor.u32 s1, s30  }
0x68: {  	[tilespmem:s10+$0x180] =	vst v0;
	s26 =	sadd.s32 $0xCF00, s8;
	s10 =	sor.u32 s4, s30;
	[dreg:$0x7] =	wrdreg s23  }
0x69: {  	[tilespmem:s7+$0x100] =	vst v0;
	s30 =	sor.u32 s5, s30;
	s18 =	sor.u32 $0x380, s6;
	[dreg:$0x5] =	wrdreg s3  }
0x6a: {  	[tilespmem:s7+$0x0] =	vst v0;
	s19 =	sadd.s32 $0x10, s6;
	s2 =	sadd.s32 $0x20, s6;
	[dreg:$0xa] =	wrdreg s14  }
0x6b: {  	s12 =	sadd.s32 $0x30, s6;
	[tilespmem:s17+$0x0] =	vst v0;
	[dreg:$0x15] =	wrdreg s10;
	s0 =	sor.u32 $0x200, s6  }
0x6c: {  	[tilespmem:s17+$0x80] =	vst v0;
	[dreg:$0x4] =	wrdreg s18;
	s3 =	sor.u32 $0x200, s19;
	s15 =	sor.u32 $0x280, s19  }
0x6d: {  	[tilespmem:s17+$0x100] =	vst v0;
	s7 =	sor.u32 $0x300, s19;
	s18 =	sadd.s32 $0xCC80, s8;
	s31 =	sor.u32 $0x200, s12  }
0x6e: {  	[tilespmem:s17+$0x180] =	vst v0;
	s29 =	sor.u32 $0x380, s19;
	s16 =	sor.u32 $0x280, s12;
	[dreg:$0x17] =	wrdreg s31  }
0x6f: {  	s23 =	sor.u32 $0x300, s12;
	s10 =	sor.u32 $0x280, s2;
	[tilespmem:s0+$0x4080] =	vst v0;
	[dreg:$0x18] =	wrdreg s16  }
0x70: {  	s24 =	sor.u32 s1, s18;
	s20 =	sor.u32 s9, s18;
	[dreg:$0x19] =	wrdreg s23;
	[tilespmem:s3+$0x4080] =	vst v0  }
0x71: {  	s31 =	sor.u32 s1, s26;
	s23 =	sadd.s32 $0xCF80, s8;
	s3 =	sor.u32 $0x200, s2;
	[tilespmem:s15+$0x4080] =	vst v0  }
0x72: {  	s16 =	sadd.s32 $0xD000, s8;
	s17 =	sor.u32 s5, s18;
	[dreg:$0x8] =	wrdreg s24;
	[tilespmem:s3+$0x4080] =	vst v0  }
0x73: {  	s24 =	sadd.s32 $0xCE00, s8;
	[dreg:$0x13] =	wrdreg s31;
	s31 =	sor.u32 s9, s23;
	[tilespmem:s7+$0x4080] =	vst v0  }
0x74: {  	s8 =	sor.u32 s4, s18;
	s14 =	sor.u32 s9, s16;
	s15 =	sor.u32 s5, s23;
	[tilespmem:s10+$0x4080] =	vst v0  }
0x75: {  	s19 =	sor.u32 s1, s24;
	[dreg:$0x14] =	wrdreg s8;
	s7 =	sor.u32 $0x300, s2;
	[tilespmem:s29+$0x4080] =	vst v0  }
0x76: {  	s25 =	sor.u32 s9, s24;
	s18 =	sor.u32 s5, s24;
	[dreg:$0xb] =	wrdreg s19;
	[tilespmem:s7+$0x4080] =	vst v0  }
0x77: {  	s19 =	sor.u32 s9, s26;
	s9 =	sor.u32 s4, s28;
	s29 =	sor.u32 $0x380, s2;
	[tilespmem:s20+$0x0] =	vst v0  }
0x78: {  	s8 =	sor.u32 s5, s16;
	s2 =	sor.u32 $0x280, s6;
	[dreg:$0x16] =	wrdreg s9;
	[tilespmem:s29+$0x4080] =	vst v0  }
0x79: {  	s9 =	sor.u32 s5, s28;
	s28 =	sor.u32 s5, s26;
	s5 =	rddreg [dreg:$0x1a];
	[tilespmem:s2+$0x4080] =	vst v0  }
0x7a: {  	s20 =	sor.u32 $0x300, s6;
	[tilespmem:s5+$0x0] =	vst v0  }
0x7b: {  	[tilespmem:s20+$0x4080] =	vst v0  }
0x7c: {  	[tilespmem:s13+$0x0] =	vst v0  }
0x7d: {  	s5 =	sor.u32 s1, s16;
	s13 =	sor.u32 s4, s16;
	s16 =	rddreg [dreg:$0x12];
	[tilespmem:s25+$0x0] =	vst v0  }
0x7e: {  	s25 =	rddreg [dreg:$0x17];
	[tilespmem:s16+$0x0] =	vst v0  }
0x7f: {  	[tilespmem:s25+$0x4080] =	vst v0  }
0x80: {  	s25 =	rddreg [dreg:$0x4];
	[tilespmem:s19+$0x0] =	vst v0  }
0x81: {  	[tilespmem:s25+$0x4080] =	vst v0  }
0x82: {  	[tilespmem:s31+$0x0] =	vst v0  }
0x83: {  	s24 =	sor.u32 s4, s24;
	s26 =	sor.u32 s4, s26;
	s31 =	rddreg [dreg:$0x18];
	[tilespmem:s14+$0x0] =	vst v0  }
0x84: {  	s6 =	sor.u32 s1, s23;
	s23 =	sor.u32 s4, s23;
	s4 =	rddreg [dreg:$0x19];
	[tilespmem:s31+$0x4080] =	vst v0  }
0x85: {  	s14 =	rddreg [dreg:$0x14];
	[tilespmem:s4+$0x4080] =	vst v0  }
0x86: {  	s12 =	sor.u32 $0x380, s12;
	[tilespmem:s14+$0x0] =	vst v0  }
0x87: {  	s16 =	rddreg [dreg:$0x16];
	[tilespmem:s12+$0x4080] =	vst v0  }
0x88: {  	s19 =	rddreg [dreg:$0x15];
	[tilespmem:s16+$0x0] =	vst v0  }
0x89: {  	[tilespmem:s19+$0x0] =	vst v0  }
0x8a: {  	[tilespmem:s17+$0x0] =	vst v0  }
0x8b: {  	[tilespmem:s9+$0x0] =	vst v0  }
0x8c: {  	[tilespmem:s24+$0x0] =	vst v0  }
0x8d: {  	s24 =	rddreg [dreg:$0x6];
	[tilespmem:s30+$0x0] =	vst v0  }
0x8e: {  	[tilespmem:s24+$0x0] =	vst v0  }
0x8f: {  	[tilespmem:s18+$0x0] =	vst v0  }
0x90: {  	s20 =	rddreg [dreg:$0x7];
	[tilespmem:s26+$0x0] =	vst v0  }
0x91: {  	[tilespmem:s20+$0x0] =	vst v0  }
0x92: {  	s26 =	rddreg [dreg:$0x8];
	[tilespmem:s23+$0x0] =	vst v0  }
0x93: {  	[tilespmem:s26+$0x0] =	vst v0  }
0x94: {  	s11 =	sadd.s32 $0x4, s11;
	[tilespmem:s28+$0x0] =	vst v0  }
0x95: {  	p1 =	slt.u32 s11, $0x10C;
	s28 =	rddreg [dreg:$0x9];
	[tilespmem:s15+$0x0] =	vst v0  }
.Ltmp0:
0x96: {  	[tilespmem:s28+$0x0] =	vst v0;
	(pc) =	sbr.rel @p1 .LBB2_2-.Ltmp0, $4  }
0x97: {  	s29 =	rddreg [dreg:$0xa];
	[tilespmem:s8+$0x0] =	vst v0  }
0x98: {  	s30 =	rddreg [dreg:$0xb];
	[tilespmem:s29+$0x0] =	vst v0  }
0x99: {  	s22 =	sadd.s32 $0x40, s22;
	p0 =	por !p0, !p0;
	s31 =	rddreg [dreg:$0x5];
	[tilespmem:s30+$0x0] =	vst v0  }
0x9a: {  	s21 =	sadd.s32 $0x200, s21;
	s2 =	rddreg [dreg:$0x13];
	s1 =	simm.s32 $0x0;
	[tilespmem:s31+$0x0] =	vst v0  }
0x9b: {  	[tilespmem:s2+$0x0] =	vst v0  }
0x9c: {  	[tilespmem:s13+$0x0] =	vst v0  }
0x9d: {  	s8 =	rddreg [dreg:$0x1];
	[tilespmem:s6+$0x0] =	vst v0  }
0x9e: {  	s9 =	rddreg [dreg:$0x2];
	[tilespmem:s5+$0x0] =	vst v0  }
0x9f: {  	s10 =	rddreg [dreg:$0x1b]  }
0xa0: {  	s12 =	simm.s32 $0x1;
	s13 =	simm.s32 $0x4080;
	s11 =	rddreg [dreg:$0x1c]  }
.LBB2_4:
0xa1: {  	_ =	swait.ge [sflag:s12], $0x7D0  }
0xa2: {  	[sflag:s12] =	ssyncset.done $0x0  }
0xa3: {  	[sflag:s12] =	ssyncadd.s32 $0xFFFFF830  }
0xa4: {  	s0 =	smov.u32 s1;
	_ =	swait.ge [sflag:s12], $0x7D0  }
0xa5: {  	s1 =	sadd.s32 $0x1, s1;
	s20 =	simm.s32 $0x7D0;
	[sflag:s12] =	ssyncset.done $0x0  }
0xa6: {  	p0 =	seq.s32 s0, $0x18;
	s0 =	sand.u32 $0x1, s0;
	[sflag:s12] =	ssyncadd.s32 $0xFFFFF830  }
0xa7: {  	s2 =	sand.u32 @!p0 $0x1, s1;
	s3 =	simm.s32 @!p0 $0x7D0;
	_ =	swait.ge [sflag:s12], $0x7D0  }
0xa8: {  	s5 =	simm.s32 @!p0 $0x0;
	p1 =	seq.s32 @!p0 s2, $0x1;
	[sflag:s12] =	ssyncset.done $0x0  }
0xa9: {  	s2 =	smul.u32 @!p0 $0xFA, s1;
	p1 =	por !p1, p0;
	[sflag:s12] =	ssyncadd.s32 $0xFFFFF830  }
0xaa: {  	s3 =	simm.s32 @p1 $0x0;
	p1 =	seq.s32 s0, $0x1;
	_ =	swait.ge [sflag:s12], $0x7D0  }
0xab: {  	s4 =	sadd.s32 @!p0 s10, s2;
	s20 =	simm.s32 @!p1 $0x0;
	[sflag:s12] =	ssyncset.done $0x0  }
0xac: {  	s0 =	sor.u32 @!p0 $0x1000, s3;
	s19 =	sshll.u32 s20, $0x2;
	[sflag:s12] =	ssyncadd.s32 $0xFFFFF830  }
0xad: {  	[tilespmem:s3], [sflag:$0x1] =	stream.linear.gather @!p0 [hbm4b:s4+s5], $0x7D0, $0x38;
	[tilespmem:$0x16980] =	vst v63  }
0xae: {  	s22 =	sand.u32 $0x7F0, s20;
	s6 =	sadd.s32 $0x1090, s20;
	s4 =	sadd.s32 @!p0 s11, s2  }
0xaf: {  	[tilespmem:s0], [sflag:$0x1] =	stream.linear.gather @!p0 [hbm4b:s4+s5], $0x7D0, $0x38;
	[tilespmem:$0x16980] =	vst v63  }
0xb0: {  	s7 =	sadd.s32 $0x90, s20;
	s0 =	sor.u32 @!p0 $0x2000, s3;
	s4 =	sadd.s32 @!p0 s8, s2  }
0xb1: {  	[tilespmem:s0], [sflag:$0x1] =	stream.linear.gather @!p0 [hbm4b:s4+s5], $0x7D0, $0x38;
	[tilespmem:$0x16980] =	vst v63  }
0xb2: {  	s21 =	sadd.s32 $0x200, s19;
	s2 =	sadd.s32 @!p0 s9, s2;
	s0 =	sor.u32 @!p0 $0x3000, s3  }
0xb3: {  	[tilespmem:s0], [sflag:$0x1] =	stream.linear.gather @!p0 [hbm4b:s2+s5], $0x7D0, $0x38;
	[tilespmem:$0x16980] =	vst v63  }
0xb4: {  	s26 =	sadd.s32 $0x3090, s20;
	s2 =	sand.u32 $0x3E00, s21;
	s0 =	sand.u32 $0x1C0, s19  }
0xb5: {  	s28 =	sadd.s32 $0x2090, s20;
	s24 =	sor.u32 $0x1000, s22;
	v6 =	vmov s22;
	v10 =	vmov s7;
	v11 =	vmov s6;
	s0 =	sor.u32 s0, s2  }
0xb6: {  	s23 =	sor.u32 $0x2000, s22;
	s25 =	sor.u32 $0x3000, s22;
	v12 =	vmov s28;
	v13 =	vmov s26;
	v7 =	vmov s24;
	s0 =	sshrl.u32 s0, $0x2  }
0xb7: {  	v8 =	vmov s23;
	v9 =	vmov s25;
	s29 =	sor.u32 $0x1000, s0;
	s30 =	sor.u32 $0x2000, s0;
	s31 =	sor.u32 $0x3000, s0;
	v14 =	vmov s0  }
0xb8: {  	s22 =	simm.s32 $0x0;
	s21 =	simm.s32 $0xFFFFFFF0;
	v15 =	vmov s29;
	v16 =	vmov s30;
	v17 =	vmov s31  }
.LBB2_5:
0xb9: {  	s23 =	sshra.s32 s22, $0x2  }
0xba: {  	v18 =	vld.idx.msk [tilespmem:v6+s23+$0x0 ss:$0x1], $0xffff  }
0xbb: {  	v19 =	vld.idx.msk [tilespmem:v7+s23+$0x0 ss:$0x1], $0xffff;
	_ =	sdelay $0x1  }
0xbc: {  	v20 =	vld.idx.msk [tilespmem:v8+s23+$0x0 ss:$0x1], $0xffff;
	_ =	sdelay $0x2  }
0xbd: {  	v18 =	vmul.f32 v18, v3;
	v19 =	vmul.f32 v19, v4;
	_ =	sdelay $0x1  }
0xbe: {  	v18 =	vadd.f32 v19, v18;
	v19 =	vmul.f32 v20, v5;
	_ =	sdelay $0x1  }
0xbf: {  	v18 =	vadd.f32 v19, v18;
	_ =	sdelay $0x1  }
0xc0: {  	v18 =	vmul.f32 $1.409090900e+01, v18;
	_ =	sdelay $0x1  }
0xc1: {  	v18 =	vadd.f32 $1.550000000e+01, v18;
	_ =	sdelay $0x1  }
0xc2: {  	v19 =	vadd.f32 $1.285000000e+02, v18  }
0xc3: {  	v34 =	vld.idx.msk [tilespmem:v10+s23+$0xFFFFFF80 ss:$0x1], $0xffff  }
0xc4: {  	v21 =	vld.idx.msk [tilespmem:v11+s23+$0xFFFFFF80 ss:$0x1], $0xffff;
	v19 =	vtrunc.f32 v19  }
0xc5: {  	v25 =	vcvt.f32.s32 v19  }
0xc6: {  	v19 =	vld.idx.msk [tilespmem:v12+s23+$0xFFFFFF80 ss:$0x1], $0xffff  }
0xc7: {  	v22 =	vcvt.s32.f32 v25;
	_ =	sdelay $0x1  }
0xc8: {  	v21 =	vmul.f32 v21, v4;
	v20 =	vmul.f32 v34, v3;
	v22 =	vadd.f32 $-1.280000000e+02, v22;
	_ =	sdelay $0x1  }
0xc9: {  	v20 =	vadd.f32 v21, v20;
	v19 =	vmul.f32 v19, v5;
	v18 =	vsub.f32 v18, v22;
	_ =	sdelay $0x1  }
0xca: {  	v19 =	vadd.f32 v19, v20;
	v18 =	vmul.f32 $3.548387150e+01, v18;
	_ =	sdelay $0x1  }
0xcb: {  	v19 =	vmul.f32 $1.409090900e+01, v19;
	v18 =	vmul.f32 $1.442695020e+00, v18  }
0xcc: {  	v35 =	vld.idx.msk [tilespmem:v10+s23+$0xFFFFFF90 ss:$0x1], $0xffff  }
0xcd: {  	v36 =	vld.idx.msk [tilespmem:v11+s23+$0xFFFFFF90 ss:$0x1], $0xffff;
	v19 =	vadd.f32 $1.550000000e+01, v19;
	(erf) = vpow2.f32 v18;
	_ =	sdelay $0x1  }
0xce: {  	v37 =	vld.idx.msk [tilespmem:v12+s23+$0xFFFFFF90 ss:$0x1], $0xffff;
	v18 =	vadd.f32 $1.285000000e+02, v19;
	_ =	sdelay $0x1  }
0xcf: {  	v23 =	vtrunc.f32 v18  }
0xd0: {  	v38 =	vmul.f32 v36, v4;
	v18 =	vmul.f32 v35, v3;
	v39 =	vadd.f32 $-1.280000000e+02, v23;
	_ =	sdelay $0x1  }
0xd1: {  	v40 =	vmul.f32 v37, v5;
	v18 =	vadd.f32 v38, v18;
	v19 =	vsub.f32 v19, v39;
	_ =	sdelay $0x1  }
0xd2: {  	v18 =	vadd.f32 v40, v18;
	v19 =	vmul.f32 $3.548387150e+01, v19;
	v41 =	vpop (erf)  }
0xd3: {  	v20 =	vadd.f32 $1.000000000e+00, v41  }
0xd4: {  	v18 =	vmul.f32 $1.409090900e+01, v18;
	v19 =	vmul.f32 $1.442695020e+00, v19  }
0xd5: {  	v42 =	vld.idx.msk [tilespmem:v10+s23+$0xFFFFFFA0 ss:$0x1], $0xffff;
	(erf) = vrcp.f32 v20  }
0xd6: {  	v43 =	vld.idx.msk [tilespmem:v11+s23+$0xFFFFFFA0 ss:$0x1], $0xffff;
	v18 =	vadd.f32 $1.550000000e+01, v18;
	(erf) = vpow2.f32 v19;
	_ =	sdelay $0x1  }
0xd7: {  	v44 =	vld.idx.msk [tilespmem:v12+s23+$0xFFFFFFA0 ss:$0x1], $0xffff;
	v19 =	vadd.f32 $1.285000000e+02, v18;
	_ =	sdelay $0x1  }
0xd8: {  	v24 =	vtrunc.f32 v19  }
0xd9: {  	v20 =	vmul.f32 v43, v4;
	v19 =	vmul.f32 v42, v3;
	v45 =	vadd.f32 $-1.280000000e+02, v24;
	_ =	sdelay $0x1  }
0xda: {  	v46 =	vmul.f32 v44, v5;
	v19 =	vadd.f32 v20, v19;
	v21 =	vsub.f32 v18, v45  }
0xdb: {  	v18 =	vpop (erf)  }
0xdc: {  	v19 =	vadd.f32 v46, v19;
	v21 =	vmul.f32 $3.548387150e+01, v21;
	v47 =	vpop (erf)  }
0xdd: {  	v20 =	vadd.f32 $1.000000000e+00, v47  }
0xde: {  	v19 =	vmul.f32 $1.409090900e+01, v19;
	v21 =	vmul.f32 $1.442695020e+00, v21  }
0xdf: {  	v48 =	vld.idx.msk [tilespmem:v10+s23+$0xFFFFFFB0 ss:$0x1], $0xffff;
	(erf) = vrcp.f32 v20  }
0xe0: {  	v49 =	vld.idx.msk [tilespmem:v11+s23+$0xFFFFFFB0 ss:$0x1], $0xffff;
	v19 =	vadd.f32 $1.550000000e+01, v19;
	(erf) = vpow2.f32 v21;
	_ =	sdelay $0x1  }
0xe1: {  	v26 =	vld.idx.msk [tilespmem:v12+s23+$0xFFFFFFB0 ss:$0x1], $0xffff;
	v50 =	vadd.f32 $1.285000000e+02, v19;
	_ =	sdelay $0x1  }
0xe2: {  	v31 =	vtrunc.f32 v50  }
0xe3: {  	v51 =	vmul.f32 v48, v3;
	v20 =	vmul.f32 v49, v4;
	v52 =	vadd.f32 $-1.280000000e+02, v31;
	_ =	sdelay $0x1  }
0xe4: {  	v53 =	vmul.f32 v26, v5;
	v20 =	vadd.f32 v20, v51;
	v22 =	vsub.f32 v19, v52  }
0xe5: {  	v19 =	vpop (erf)  }
0xe6: {  	v20 =	vadd.f32 v53, v20;
	v22 =	vmul.f32 $3.548387150e+01, v22;
	v54 =	vpop (erf)  }
0xe7: {  	v21 =	vadd.f32 $1.000000000e+00, v54  }
0xe8: {  	v20 =	vmul.f32 $1.409090900e+01, v20;
	v22 =	vmul.f32 $1.442695020e+00, v22  }
0xe9: {  	v27 =	vld.idx.msk [tilespmem:v10+s23+$0xFFFFFFC0 ss:$0x1], $0xffff;
	(erf) = vrcp.f32 v21  }
0xea: {  	v55 =	vld.idx.msk [tilespmem:v11+s23+$0xFFFFFFC0 ss:$0x1], $0xffff;
	v20 =	vadd.f32 $1.550000000e+01, v20;
	(erf) = vpow2.f32 v22;
	_ =	sdelay $0x1  }
0xeb: {  	v28 =	vld.idx.msk [tilespmem:v12+s23+$0xFFFFFFC0 ss:$0x1], $0xffff;
	v56 =	vadd.f32 $1.285000000e+02, v20;
	_ =	sdelay $0x1  }
0xec: {  	v26 =	vtrunc.f32 v56  }
0xed: {  	v57 =	vmul.f32 v27, v3;
	v21 =	vmul.f32 v55, v4;
	v58 =	vadd.f32 $-1.280000000e+02, v26;
	_ =	sdelay $0x1  }
0xee: {  	v59 =	vmul.f32 v28, v5;
	v21 =	vadd.f32 v21, v57;
	v27 =	vsub.f32 v20, v58  }
0xef: {  	v20 =	vpop (erf)  }
0xf0: {  	v21 =	vadd.f32 v59, v21;
	v27 =	vmul.f32 $3.548387150e+01, v27;
	v60 =	vpop (erf)  }
0xf1: {  	v22 =	vadd.f32 $1.000000000e+00, v60  }
0xf2: {  	v21 =	vmul.f32 $1.409090900e+01, v21;
	v27 =	vmul.f32 $1.442695020e+00, v27  }
0xf3: {  	v61 =	vld.idx.msk [tilespmem:v10+s23+$0xFFFFFFD0 ss:$0x1], $0xffff;
	(erf) = vrcp.f32 v22  }
0xf4: {  	v62 =	vld.idx.msk [tilespmem:v11+s23+$0xFFFFFFD0 ss:$0x1], $0xffff;
	v21 =	vadd.f32 $1.550000000e+01, v21;
	(erf) = vpow2.f32 v27;
	_ =	sdelay $0x1  }
0xf5: {  	v30 =	vld.idx.msk [tilespmem:v12+s23+$0xFFFFFFD0 ss:$0x1], $0xffff;
	v63 =	vadd.f32 $1.285000000e+02, v21;
	_ =	sdelay $0x1  }
0xf6: {  	v29 =	vtrunc.f32 v63  }
0xf7: {  	v33 =	vmul.f32 v61, v3;
	v22 =	vmul.f32 v62, v4;
	v34 =	vadd.f32 $-1.280000000e+02, v29;
	_ =	sdelay $0x1  }
0xf8: {  	v35 =	vmul.f32 v30, v5;
	v22 =	vadd.f32 v22, v33;
	v28 =	vsub.f32 v21, v34  }
0xf9: {  	v21 =	vpop (erf)  }
0xfa: {  	v22 =	vadd.f32 v35, v22;
	v28 =	vmul.f32 $3.548387150e+01, v28;
	v36 =	vpop (erf)  }
0xfb: {  	v27 =	vadd.f32 $1.000000000e+00, v36  }
0xfc: {  	v22 =	vmul.f32 $1.409090900e+01, v22;
	v28 =	vmul.f32 $1.442695020e+00, v28  }
0xfd: {  	v37 =	vld.idx.msk [tilespmem:v10+s23+$0xFFFFFFE0 ss:$0x1], $0xffff;
	(erf) = vrcp.f32 v27  }
0xfe: {  	v38 =	vld.idx.msk [tilespmem:v11+s23+$0xFFFFFFE0 ss:$0x1], $0xffff;
	v22 =	vadd.f32 $1.550000000e+01, v22;
	(erf) = vpow2.f32 v28;
	_ =	sdelay $0x1  }
0xff: {  	v32 =	vld.idx.msk [tilespmem:v12+s23+$0xFFFFFFE0 ss:$0x1], $0xffff;
	v25 =	vadd.s32 $0xFFFFFF81, v25;
	v39 =	vadd.f32 $1.285000000e+02, v22  }
0x100: {  	vm0 =	vgt.s32 v25, $0x0;
	v43 =	vld.idx.msk [tilespmem:v9+s23+$0x0 ss:$0x1], $0xffff  }
0x101: {  	v25 =	vnsel vm0, $0x0, v25;
	v33 =	vtrunc.f32 v39  }
0x102: {  	v40 =	vmul.f32 v37, v3;
	v27 =	vmul.f32 v38, v4;
	v41 =	vadd.f32 $-1.280000000e+02, v33  }
0x103: {  	v25 =	vmin.u32 v25, $0x21;
	v23 =	vcvt.f32.s32 v23  }
0x104: {  	v42 =	vmul.f32 v32, v5;
	v27 =	vadd.f32 v27, v40;
	v30 =	vsub.f32 v22, v41  }
0x105: {  	v23 =	vadd.s32 $0xFFFFFF81, v23;
	v24 =	vcvt.f32.s32 v24;
	v32 =	vmul.u32 $0x44, v43;
	v22 =	vpop (erf)  }
0x106: {  	vm13 =	vgt.s32 v23, $0x0;
	v27 =	vadd.f32 v42, v27;
	v30 =	vmul.f32 $3.548387150e+01, v30;
	v44 =	vpop (erf)  }
0x107: {  	v24 =	vadd.s32 $0xFFFFFF81, v24;
	v25 =	vadd.s32 v32, v25;
	v28 =	vadd.f32 $1.000000000e+00, v44  }
0x108: {  	vm14 =	vgt.s32 v24, $0x0;
	v47 =	vld.idx.msk [tilespmem:v16+s23+$0x0 ss:$0x1], $0xffff;
	v27 =	vmul.f32 $1.409090900e+01, v27;
	v30 =	vmul.f32 $1.442695020e+00, v30  }
0x109: {  	v45 =	vld.idx.msk [tilespmem:v15+s23+$0x0 ss:$0x1], $0xffff;
	v48 =	vadd.s32 $0x22, v25;
	v24 =	vnsel vm14, $0x0, v24;
	(erf) = vrcp.f32 v28  }
0x10a: {  	v31 =	vcvt.f32.s32 v31;
	v34 =	vld.idx.msk [tilespmem:v14+s23+$0x0 ss:$0x1], $0xffff;
	v27 =	vadd.f32 $1.550000000e+01, v27;
	(erf) = vpow2.f32 v30  }
0x10b: {  	v24 =	vmin.u32 v24, $0x21;
	v49 =	vand.u32 $0x7F, v48;
	v51 =	vnsel vm13, $0x0, v23  }
0x10c: {  	v31 =	vadd.s32 $0xFFFFFF81, v31;
	v29 =	vcvt.f32.s32 v29;
	v46 =	vadd.f32 $1.285000000e+02, v27  }
0x10d: {  	v32 =	vmul.f32 v47, v5;
	v53 =	vmin.u32 v51, $0x21;
	vm15 =	vgt.s32 v31, $0x0  }
0x10e: {  	v31 =	vnsel vm15, $0x0, v31;
	v29 =	vadd.s32 $0xFFFFFF81, v29;
	v37 =	vtrunc.f32 v46  }
0x10f: {  	v34 =	vmul.f32 v34, v3;
	v28 =	vmul.f32 v45, v4;
	v50 =	vadd.f32 $-1.280000000e+02, v37  }
0x110: {  	v56 =	vld.idx.msk [tilespmem:v13+s23+$0xFFFFFF90 ss:$0x1], $0xffff;
	v26 =	vcvt.f32.s32 v26;
	vm5 =	vgt.s32 v29, $0x0;
	v35 =	vand.u32 $0x7F, v25  }
0x111: {  	v59 =	vld.idx.msk [tilespmem:v10+s23+$0x0 ss:$0x1], $0xffff;
	v29 =	vnsel vm5, $0x0, v29;
	v28 =	vadd.f32 v28, v34;
	v27 =	vsub.f32 v27, v50  }
0x112: {  	v29 =	vmin.u32 v29, $0x21;
	v36 =	vshll.u32 v25, $0x3;
	v39 =	vld.idx.msk [tilespmem:v11+s23+$0x0 ss:$0x1], $0xffff;
	v33 =	vcvt.f32.s32 v33;
	v23 =	vpop (erf)  }
0x113: {  	v36 =	vand.u32 $0xFFFFFC00, v36;
	v38 =	vld.idx.msk [tilespmem:v13+s23+$0xFFFFFF80 ss:$0x1], $0xffff;
	v28 =	vadd.f32 v32, v28;
	v55 =	vmul.f32 $3.548387150e+01, v27;
	v54 =	vpop (erf)  }
0x114: {  	v25 =	vor.u32 v35, v36;
	v33 =	vadd.s32 $0xFFFFFF81, v33;
	v34 =	vadd.f32 $1.000000000e+00, v54  }
0x115: {  	v40 =	vld.idx.msk [tilespmem:v12+s23+$0x0 ss:$0x1], $0xffff;
	vm6 =	vgt.s32 v33, $0x0;
	v28 =	vmul.f32 $1.409090900e+01, v28;
	v58 =	vmul.f32 $1.442695020e+00, v55  }
0x116: {  	v25 =	vadd.s32 v2, v25;
	v33 =	vnsel vm6, $0x0, v33;
	(erf) = vrcp.f32 v34  }
0x117: {  	v44 =	vmul.u32 $0x44, v56;
	v60 =	vadd.f32 $1.550000000e+01, v28;
	(erf) = vpow2.f32 v58  }
0x118: {  	v52 =	vmul.u32 $0x44, v38;
	v46 =	vmul.f32 v39, v4;
	v45 =	vmul.f32 v59, v3  }
0x119: {  	v35 =	vadd.s32 v44, v24;
	v30 =	vshll.u32 v48, $0x3;
	v62 =	vadd.f32 $1.285000000e+02, v60  }
0x11a: {  	v48 =	vmul.f32 v40, v5;
	v24 =	vshll.u32 v35, $0x3;
	v30 =	vand.u32 $0xFFFFFC00, v30  }
0x11b: {  	v36 =	vadd.f32 v46, v45;
	v51 =	vand.u32 $0xFFFFFC00, v24;
	v41 =	vtrunc.f32 v62  }
0x11c: {  	v32 =	vadd.s32 v52, v53;
	v27 =	vor.u32 v49, v30;
	v47 =	vadd.f32 $-1.280000000e+02, v41  }
0x11d: {  	v57 =	vshll.u32 v32, $0x3;
	v61 =	vand.u32 $0x7F, v32;
	v32 =	vadd.s32 $0x22, v32  }
0x11e: {  	v63 =	vand.u32 $0x7F, v32;
	v32 =	vshll.u32 v32, $0x3;
	v49 =	vsub.f32 v60, v47  }
0x11f: {  	v36 =	vadd.f32 v48, v36;
	v30 =	vand.u32 $0xFFFFFC00, v57;
	v32 =	vand.u32 $0xFFFFFC00, v32;
	v24 =	vpop (erf)  }
0x120: {  	v28 =	vor.u32 v61, v30;
	v30 =	vor.u32 v63, v32;
	v32 =	vmul.f32 $3.548387150e+01, v49;
	v53 =	vpop (erf)  }
0x121: {  	v33 =	vmin.u32 v33, $0x21;
	v37 =	vcvt.f32.s32 v37;
	v38 =	vadd.f32 $1.000000000e+00, v53  }
0x122: {  	v43 =	vld.idx.msk [tilespmem:v10+s23+$0x10 ss:$0x1], $0xffff;
	v56 =	vmin.u32 v31, $0x21;
	v36 =	vmul.f32 $1.409090900e+01, v36;
	v32 =	vmul.f32 $1.442695020e+00, v32  }
0x123: {  	v50 =	vand.u32 $0x7F, v35;
	v35 =	vadd.s32 $0x22, v35;
	v52 =	vld.idx.msk [tilespmem:v13+s23+$0xFFFFFFA0 ss:$0x1], $0xffff;
	(erf) = vrcp.f32 v38  }
0x124: {  	v37 =	vadd.s32 $0xFFFFFF81, v37;
	v36 =	vadd.f32 $1.550000000e+01, v36;
	v54 =	vld.idx.msk [tilespmem:v11+s23+$0x10 ss:$0x1], $0xffff;
	(erf) = vpow2.f32 v32  }
0x125: {  	v59 =	vld.idx.msk [tilespmem:v13+s23+$0xFFFFFFB0 ss:$0x1], $0xffff;
	v42 =	vand.u32 $0x7F, v35;
	v35 =	vshll.u32 v35, $0x3;
	vm7 =	vgt.s32 v37, $0x0  }
0x126: {  	v45 =	vld.idx.msk [tilespmem:v12+s23+$0x10 ss:$0x1], $0xffff;
	v31 =	vor.u32 v50, v51;
	v37 =	vnsel vm7, $0x0, v37;
	v44 =	vadd.f32 $1.285000000e+02, v36  }
0x127: {  	v31 =	vadd.s32 v2, v31;
	v37 =	vmin.u32 v37, $0x21;
	v27 =	vadd.s32 v2, v27  }
0x128: {  	v55 =	vand.u32 $0xFFFFFC00, v35;
	v40 =	vmul.u32 $0x44, v52;
	v46 =	vtrunc.f32 v44  }
0x129: {  	v61 =	vadd.f32 $-1.280000000e+02, v46;
	v60 =	vmul.f32 v43, v3;
	v38 =	vmul.f32 v54, v4  }
0x12a: {  	v28 =	vadd.s32 v2, v28;
	v35 =	vadd.s32 v40, v56;
	v40 =	vmul.u32 $0x44, v59  }
0x12b: {  	v62 =	vmul.f32 v45, v5;
	v36 =	vsub.f32 v36, v61;
	v38 =	vadd.f32 v38, v60  }
0x12c: {  	v57 =	vand.u32 $0x7F, v35;
	v58 =	vshll.u32 v35, $0x3;
	v49 =	vadd.s32 $0xFFFFFF81, v26;
	v26 =	vpop (erf)  }
0x12d: {  	v35 =	vadd.s32 $0x22, v35;
	v36 =	vmul.f32 $3.548387150e+01, v36;
	v38 =	vadd.f32 v62, v38;
	v51 =	vpop (erf)  }
0x12e: {  	v39 =	vand.u32 $0xFFFFFC00, v58;
	v32 =	vor.u32 v42, v55;
	v42 =	vadd.f32 $1.000000000e+00, v51  }
0x12f: {  	v48 =	vld.idx.msk [tilespmem:v13+s23+$0xFFFFFFC0 ss:$0x1], $0xffff;
	vm4 =	vgt.s32 v49, $0x0;
	v36 =	vmul.f32 $1.442695020e+00, v36;
	v38 =	vmul.f32 $1.409090900e+01, v38  }
0x130: {  	v52 =	vld.idx.msk [tilespmem:v10+s23+$0x20 ss:$0x1], $0xffff;
	v34 =	vor.u32 v57, v39;
	v50 =	vnsel vm4, $0x0, v49;
	(erf) = vrcp.f32 v42  }
0x131: {  	v39 =	vmin.u32 v50, $0x21;
	v53 =	vld.idx.msk [tilespmem:v11+s23+$0x20 ss:$0x1], $0xffff;
	v38 =	vadd.f32 $1.550000000e+01, v38;
	(erf) = vpow2.f32 v36  }
0x132: {  	v41 =	vcvt.f32.s32 v41;
	v63 =	vand.u32 $0x7F, v35;
	v49 =	vld.idx.msk [tilespmem:v12+s23+$0x20 ss:$0x1], $0xffff;
	v39 =	vadd.s32 v40, v39  }
0x133: {  	v35 =	vshll.u32 v35, $0x3;
	v40 =	vshll.u32 v39, $0x3;
	v56 =	vadd.f32 $1.285000000e+02, v38  }
0x134: {  	v35 =	vand.u32 $0xFFFFFC00, v35;
	v47 =	vand.u32 $0xFFFFFC00, v40;
	v54 =	vand.u32 $0x7F, v39  }
0x135: {  	v40 =	vor.u32 v63, v35;
	v35 =	vor.u32 v54, v47;
	v47 =	vtrunc.f32 v56  }
0x136: {  	v58 =	vmul.f32 v52, v3;
	v42 =	vmul.f32 v53, v4;
	v60 =	vadd.f32 $-1.280000000e+02, v47  }
0x137: {  	v59 =	vmul.u32 $0x44, v48;
	v41 =	vadd.s32 $0xFFFFFF81, v41;
	v61 =	vmul.f32 v49, v5  }
0x138: {  	v52 =	vld.idx.msk [tilespmem:v13+s23+$0xFFFFFFD0 ss:$0x1], $0xffff;
	v55 =	vadd.s32 $0x22, v39;
	v39 =	vadd.f32 v42, v58;
	v45 =	vsub.f32 v38, v60  }
0x139: {  	v30 =	vadd.s32 v2, v30;
	v44 =	vadd.s32 v59, v29;
	vm8 =	vgt.s32 v41, $0x0;
	v29 =	vpop (erf)  }
0x13a: {  	v41 =	vnsel vm8, $0x0, v41;
	v39 =	vadd.f32 v61, v39;
	v45 =	vmul.f32 $3.548387150e+01, v45;
	v53 =	vpop (erf)  }
0x13b: {  	v57 =	vand.u32 $0x7F, v55;
	v36 =	vshll.u32 v55, $0x3;
	v48 =	vadd.f32 $1.000000000e+00, v53  }
0x13c: {  	v56 =	vld.idx.msk [tilespmem:v10+s23+$0x30 ss:$0x1], $0xffff;
	v36 =	vand.u32 $0xFFFFFC00, v36;
	v39 =	vmul.f32 $1.409090900e+01, v39;
	v55 =	vmul.f32 $1.442695020e+00, v45  }
0x13d: {  	v43 =	vmul.u32 $0x44, v52;
	v38 =	vor.u32 v57, v36;
	v57 =	vld.idx.msk [tilespmem:v11+s23+$0x30 ss:$0x1], $0xffff;
	(erf) = vrcp.f32 v48  }
0x13e: {  	v34 =	vadd.s32 v2, v34;
	v48 =	vadd.f32 $1.550000000e+01, v39;
	(erf) = vpow2.f32 v55  }
0x13f: {  	v41 =	vmin.u32 v41, $0x21;
	v50 =	vld.idx.msk [tilespmem:v12+s23+$0x30 ss:$0x1], $0xffff;
	v33 =	vadd.s32 v43, v33;
	v63 =	vand.u32 $0x7F, v44  }
0x140: {  	v40 =	vadd.s32 v2, v40;
	v54 =	vadd.s32 $0x22, v44;
	v59 =	vadd.f32 $1.285000000e+02, v48  }
0x141: {  	v62 =	vshll.u32 v44, $0x3;
	v58 =	vshll.u32 v54, $0x3;
	v60 =	vmul.f32 v56, v3  }
0x142: {  	v36 =	vand.u32 $0xFFFFFC00, v62;
	v61 =	vmul.f32 v57, v4;
	v51 =	vtrunc.f32 v59  }
0x143: {  	v42 =	vand.u32 $0x7F, v54;
	v36 =	vor.u32 v63, v36;
	v63 =	vld.idx.msk [tilespmem:v13+s23+$0xFFFFFFE0 ss:$0x1], $0xffff;
	v52 =	vadd.f32 $-1.280000000e+02, v51  }
0x144: {  	v62 =	vshll.u32 v33, $0x3;
	v56 =	vmul.f32 v50, v5;
	v43 =	vadd.f32 v61, v60  }
0x145: {  	v57 =	vadd.s32 $0x22, v33;
	v39 =	vand.u32 $0xFFFFFC00, v58;
	v48 =	vsub.f32 v48, v52  }
0x146: {  	v43 =	vadd.f32 v56, v43;
	v39 =	vor.u32 v42, v39;
	v42 =	vand.u32 $0x7F, v33;
	v33 =	vpop (erf)  }
0x147: {  	v32 =	vadd.s32 v2, v32;
	v47 =	vcvt.f32.s32 v47;
	v48 =	vmul.f32 $3.548387150e+01, v48;
	v59 =	vpop (erf)  }
0x148: {  	v49 =	vmul.u32 $0x44, v63;
	v43 =	vmul.f32 $1.409090900e+01, v43;
	v50 =	vadd.f32 $1.000000000e+00, v59  }
0x149: {  	v47 =	vadd.s32 $0xFFFFFF81, v47;
	v45 =	vand.u32 $0xFFFFFC00, v62;
	v62 =	vld.idx.msk [tilespmem:v11+s23+$0x40 ss:$0x1], $0xffff;
	v60 =	vmul.f32 $1.442695020e+00, v48  }
0x14a: {  	v61 =	vld.idx.msk [tilespmem:v10+s23+$0x40 ss:$0x1], $0xffff;
	v37 =	vadd.s32 v49, v37;
	v49 =	vadd.f32 $1.550000000e+01, v43;
	(erf) = vrcp.f32 v50  }
0x14b: {  	v63 =	vand.u32 $0x7F, v37;
	v54 =	vshll.u32 v37, $0x3;
	(erf) = vpow2.f32 v60  }
0x14c: {  	v58 =	vshll.u32 v57, $0x3;
	v56 =	vadd.f32 $1.285000000e+02, v49;
	v52 =	vand.u32 $0x7F, v57;
	v57 =	vld.idx.msk [tilespmem:v12+s23+$0x40 ss:$0x1], $0xffff  }
0x14d: {  	v37 =	vadd.s32 $0x22, v37;
	v54 =	vand.u32 $0xFFFFFC00, v54;
	v53 =	vand.u32 $0xFFFFFC00, v58  }
0x14e: {  	v55 =	vld.idx.msk [tilespmem:v17+s23+$0x0 ss:$0x1], $0xffff;
	v44 =	vor.u32 v42, v45;
	v42 =	vor.u32 v52, v53;
	v52 =	vtrunc.f32 v56  }
0x14f: {  	v43 =	vor.u32 v63, v54;
	v60 =	vmul.f32 v61, v3;
	v61 =	vmul.f32 v62, v4  }
0x150: {  	v63 =	vadd.f32 $-1.280000000e+02, v52;
	v62 =	vand.u32 $0x7F, v37;
	v37 =	vshll.u32 v37, $0x3  }
0x151: {  	vm10 =	vgt.s32 v47, $0x0;
	v59 =	vmul.f32 v57, v5;
	v45 =	vadd.f32 v61, v60  }
0x152: {  	[tilespmem:v28+s13+$0x0] =	vst.idx.add.f32.msk $0xffff, v1;
	v28 =	vadd.s32 v2, v35;
	v47 =	vnsel vm10, $0x0, v47;
	v49 =	vsub.f32 v49, v63  }
0x153: {  	v58 =	vmul.u32 $0x44, v55;
	v60 =	vand.u32 $0xFFFFFC00, v37;
	v48 =	vadd.f32 v59, v45;
	v37 =	vpop (erf)  }
0x154: {  	v35 =	vadd.s32 v2, v38;
	v55 =	vld.idx.msk [tilespmem:v13+s23+$0x0 ss:$0x1], $0xffff;
	v49 =	vmul.f32 $3.548387150e+01, v49;
	v45 =	vor.u32 v62, v60;
	v62 =	vpop (erf)  }
0x155: {  	v41 =	vadd.s32 v58, v41;
	v48 =	vmul.f32 $1.409090900e+01, v48;
	v53 =	vadd.f32 $1.000000000e+00, v62  }
0x156: {  	v47 =	vmin.u32 v47, $0x21;
	v54 =	vshll.u32 v41, $0x3;
	v49 =	vmul.f32 $1.442695020e+00, v49;
	v60 =	vld.idx.msk [tilespmem:v10+s23+$0x50 ss:$0x1], $0xffff  }
0x157: {  	v63 =	vcvt.f32.s32 v46;
	v50 =	vadd.f32 $1.550000000e+01, v48;
	v48 =	vld.idx.msk [tilespmem:v11+s23+$0x50 ss:$0x1], $0xffff;
	(erf) = vrcp.f32 v53  }
0x158: {  	v54 =	vand.u32 $0xFFFFFC00, v54;
	v61 =	vand.u32 $0x7F, v41;
	(erf) = vpow2.f32 v49  }
0x159: {  	v56 =	vld.idx.msk [tilespmem:v12+s23+$0x50 ss:$0x1], $0xffff;
	v55 =	vmul.u32 $0x44, v55;
	v46 =	vor.u32 v61, v54;
	v61 =	vadd.s32 $0xFFFFFF81, v63  }
0x15a: {  	v41 =	vadd.s32 $0x22, v41;
	vm9 =	vgt.s32 v61, $0x0;
	v59 =	vld.idx.msk [tilespmem:v10+s23+$0x60 ss:$0x1], $0xffff;
	v63 =	vadd.f32 $1.285000000e+02, v50  }
0x15b: {  	v60 =	vmul.f32 v60, v3;
	v62 =	vand.u32 $0x7F, v41;
	v41 =	vshll.u32 v41, $0x3  }
0x15c: {  	v53 =	vnsel vm9, $0x0, v61;
	v54 =	vtrunc.f32 v63;
	v61 =	vmul.f32 v48, v4  }
0x15d: {  	v41 =	vand.u32 $0xFFFFFC00, v41;
	v53 =	vmin.u32 v53, $0x21;
	v63 =	vadd.f32 $-1.280000000e+02, v54  }
0x15e: {  	v56 =	vmul.f32 v56, v5;
	v53 =	vadd.s32 v55, v53;
	v55 =	vadd.f32 v61, v60  }
0x15f: {  	v52 =	vcvt.f32.s32 v52;
	v59 =	vmul.f32 v59, v3;
	v61 =	vld.idx.msk [tilespmem:v13+s23+$0x10 ss:$0x1], $0xffff;
	v50 =	vsub.f32 v50, v63  }
0x160: {  	v48 =	vor.u32 v62, v41;
	v62 =	vand.u32 $0x7F, v53;
	v55 =	vadd.f32 v56, v55;
	v41 =	vpop (erf)  }
0x161: {  	v58 =	vshll.u32 v53, $0x3;
	v53 =	vadd.s32 $0x22, v53;
	v50 =	vmul.f32 $3.548387150e+01, v50;
	v63 =	vpop (erf)  }
0x162: {  	v60 =	vand.u32 $0xFFFFFC00, v58;
	v55 =	vmul.f32 $1.409090900e+01, v55;
	v57 =	vadd.f32 $1.000000000e+00, v63  }
0x163: {  	v49 =	vor.u32 v62, v60;
	v62 =	vand.u32 $0x7F, v53;
	v50 =	vmul.f32 $1.442695020e+00, v50  }
0x164: {  	v58 =	vmul.u32 $0x44, v61;
	v55 =	vadd.f32 $1.550000000e+01, v55;
	(erf) = vrcp.f32 v57  }
0x165: {  	v53 =	vshll.u32 v53, $0x3;
	v60 =	vcvt.f32.s32 v51;
	(erf) = vpow2.f32 v50  }
0x166: {  	v53 =	vand.u32 $0xFFFFFC00, v53;
	v47 =	vadd.s32 v58, v47;
	v61 =	vadd.f32 $1.285000000e+02, v55;
	v57 =	vld.idx.msk [tilespmem:v13+s23+$0x20 ss:$0x1], $0xffff  }
0x167: {  	v53 =	vor.u32 v62, v53;
	v58 =	vshll.u32 v47, $0x3;
	v50 =	vadd.s32 $0xFFFFFF81, v60;
	v60 =	vld.idx.msk [tilespmem:v11+s23+$0x60 ss:$0x1], $0xffff  }
0x168: {  	v62 =	vand.u32 $0x7F, v47;
	v58 =	vand.u32 $0xFFFFFC00, v58;
	v51 =	vtrunc.f32 v61  }
0x169: {  	v47 =	vadd.s32 $0x22, v47;
	v56 =	vor.u32 v62, v58;
	v58 =	vadd.f32 $-1.280000000e+02, v51  }
0x16a: {  	v61 =	vshll.u32 v47, $0x3;
	v47 =	vand.u32 $0x7F, v47;
	vm11 =	vgt.s32 v50, $0x0  }
0x16b: {  	v50 =	vnsel vm11, $0x0, v50;
	v55 =	vsub.f32 v55, v58;
	v58 =	vld.idx.msk [tilespmem:v12+s23+$0x60 ss:$0x1], $0xffff;
	v57 =	vmul.u32 $0x44, v57  }
0x16c: {  	v61 =	vand.u32 $0xFFFFFC00, v61;
	v50 =	vmin.u32 v50, $0x21;
	v60 =	vmul.f32 v60, v4  }
0x16d: {  	[tilespmem:v28+s13+$0x0] =	vst.idx.add.f32.msk $0xffff, v1;
	v52 =	vadd.s32 $0xFFFFFF81, v52;
	v50 =	vadd.s32 v57, v50;
	v57 =	vor.u32 v47, v61;
	v47 =	vpop (erf)  }
0x16e: {  	vm12 =	vgt.s32 v52, $0x0;
	v55 =	vmul.f32 $3.548387150e+01, v55;
	v59 =	vadd.f32 v60, v59;
	v60 =	vld.idx.msk [tilespmem:v13+s23+$0x30 ss:$0x1], $0xffff;
	v63 =	vpop (erf)  }
0x16f: {  	[tilespmem:v35+s13+$0x0] =	vst.idx.add.f32.msk $0xffff, v22;
	v22 =	vadd.s32 v2, v39;
	v52 =	vnsel vm12, $0x0, v52;
	v63 =	vadd.f32 $1.000000000e+00, v63  }
0x170: {  	v52 =	vmin.u32 v52, $0x21;
	v55 =	vmul.f32 $1.442695020e+00, v55;
	v58 =	vmul.f32 v58, v5  }
0x171: {  	v61 =	vand.u32 $0x7F, v50;
	v62 =	vshll.u32 v50, $0x3;
	(erf) = vrcp.f32 v63  }
0x172: {  	v62 =	vand.u32 $0xFFFFFC00, v62;
	(erf) = vpow2.f32 v55;
	v55 =	vadd.f32 v58, v59  }
0x173: {  	v50 =	vadd.s32 $0x22, v50;
	v61 =	vor.u32 v61, v62;
	v63 =	vmul.u32 $0x44, v60  }
0x174: {  	v60 =	vand.u32 $0x7F, v50;
	v50 =	vshll.u32 v50, $0x3;
	v55 =	vmul.f32 $1.409090900e+01, v55  }
0x175: {  	[tilespmem:v25+s13+$0x0] =	vst.idx.add.f32.msk $0xffff, v1;
	v62 =	vand.u32 $0xFFFFFC00, v50;
	v50 =	vadd.s32 v2, v44;
	v52 =	vadd.s32 v63, v52  }
0x176: {  	[tilespmem:v27+s13+$0x0] =	vst.idx.add.f32.msk $0xffff, v18;
	v18 =	vor.u32 v60, v62;
	v62 =	vcvt.f32.s32 v54;
	v54 =	vadd.f32 $1.550000000e+01, v55  }
0x177: {  	v63 =	vshll.u32 v52, $0x3;
	v58 =	vand.u32 $0x7F, v52;
	v18 =	vadd.s32 v2, v18  }
0x178: {  	[tilespmem:v30+s13+$0x0] =	vst.idx.add.f32.msk $0xffff, v19;
	v59 =	vand.u32 $0xFFFFFC00, v63;
	v63 =	vadd.s32 $0x22, v52;
	v55 =	vadd.f32 $1.285000000e+02, v54  }
0x179: {  	v60 =	vld.idx.msk [tilespmem:v13+s23+$0x40 ss:$0x1], $0xffff;
	v52 =	vadd.s32 $0xFFFFFF81, v62;
	v25 =	vor.u32 v58, v59;
	v19 =	vshll.u32 v63, $0x3  }
0x17a: {  	[tilespmem:v31+s13+$0x0] =	vst.idx.add.f32.msk $0xffff, v1;
	v58 =	vand.u32 $0x7F, v63;
	vm13 =	vgt.s32 v52, $0x0;
	v31 =	vtrunc.f32 v55  }
0x17b: {  	[tilespmem:v34+s13+$0x0] =	vst.idx.add.f32.msk $0xffff, v1;
	v59 =	vcvt.f32.s32 v51;
	v63 =	vadd.s32 v2, v36;
	v62 =	vadd.f32 $-1.280000000e+02, v31  }
0x17c: {  	[tilespmem:v40+s13+$0x0] =	vst.idx.add.f32.msk $0xffff, v21;
	v19 =	vand.u32 $0xFFFFFC00, v19;
	v30 =	vnsel vm13, $0x0, v52;
	v52 =	vadd.s32 v2, v42  }
0x17d: {  	v25 =	vadd.s32 v2, v25;
	v19 =	vor.u32 v58, v19;
	v38 =	vsub.f32 v54, v62  }
0x17e: {  	[tilespmem:v32+s13+$0x0] =	vst.idx.add.f32.msk $0xffff, v20;
	v27 =	vmul.u32 $0x44, v60;
	v30 =	vmin.u32 v30, $0x21;
	v40 =	vadd.s32 $0xFFFFFF81, v59;
	v20 =	vpop (erf)  }
0x17f: {  	v51 =	vld.idx.msk [tilespmem:v13+s23+$0x50 ss:$0x1], $0xffff;
	v58 =	vadd.s32 v2, v46;
	v59 =	vadd.s32 v2, v48;
	v60 =	vpop (erf);
	v28 =	vmul.f32 $3.548387150e+01, v38  }
0x180: {  	vm14 =	vgt.s32 v40, $0x0;
	v19 =	vadd.s32 v2, v19;
	v34 =	vadd.f32 $1.000000000e+00, v60  }
0x181: {  	v27 =	vadd.s32 v27, v30;
	v30 =	vnsel vm14, $0x0, v40;
	v28 =	vmul.f32 $1.442695020e+00, v28  }
0x182: {  	v55 =	vadd.s32 v2, v45;
	[tilespmem:v63+s13+$0x0] =	vst.idx.add.f32.msk $0xffff, v1;
	v63 =	vadd.s32 v2, v56;
	(erf) = vrcp.f32 v34  }
0x183: {  	v44 =	vand.u32 $0x7F, v27;
	v45 =	vshll.u32 v27, $0x3;
	(erf) = vpow2.f32 v28  }
0x184: {  	v27 =	vadd.s32 $0x22, v27;
	v46 =	vmul.u32 $0x44, v51;
	v51 =	vld.idx.msk [tilespmem:v13+s23+$0x60 ss:$0x1], $0xffff;
	v60 =	vadd.s32 v2, v49  }
0x185: {  	[tilespmem:v22+s13+$0x0] =	vst.idx.add.f32.msk $0xffff, v23;
	v23 =	vand.u32 $0xFFFFFC00, v45;
	v48 =	vshll.u32 v27, $0x3;
	v54 =	vadd.s32 v2, v43  }
0x186: {  	[tilespmem:v50+s13+$0x0] =	vst.idx.add.f32.msk $0xffff, v1;
	v49 =	vmin.u32 v30, $0x21;
	v27 =	vand.u32 $0x7F, v27;
	v62 =	vadd.s32 v2, v53  }
0x187: {  	[tilespmem:v52+s13+$0x0] =	vst.idx.add.f32.msk $0xffff, v24;
	v22 =	vor.u32 v44, v23;
	v23 =	vand.u32 $0xFFFFFC00, v48;
	v24 =	vadd.s32 v46, v49  }
0x188: {  	v53 =	vcvt.f32.s32 v31;
	[tilespmem:v58+s13+$0x0] =	vst.idx.add.f32.msk $0xffff, v1;
	v23 =	vor.u32 v27, v23;
	v50 =	vand.u32 $0x7F, v24  }
0x189: {  	[tilespmem:v59+s13+$0x0] =	vst.idx.add.f32.msk $0xffff, v29;
	v22 =	vadd.s32 v2, v22;
	v59 =	vadd.s32 v2, v23;
	v30 =	vmul.u32 $0x44, v51  }
0x18a: {  	[tilespmem:v54+s13+$0x0] =	vst.idx.add.f32.msk $0xffff, v1;
	v54 =	vadd.s32 v2, v57;
	v57 =	vadd.s32 v2, v61;
	v28 =	vshll.u32 v24, $0x3  }
0x18b: {  	[tilespmem:v25+s13+$0x0] =	vst.idx.add.f32.msk $0xffff, v1;
	v24 =	vadd.s32 $0x22, v24;
	v52 =	vand.u32 $0xFFFFFC00, v28;
	v28 =	vadd.s32 $0xFFFFFF81, v53;
	v56 =	vpop (erf)  }
0x18c: {  	[tilespmem:v55+s13+$0x0] =	vst.idx.add.f32.msk $0xffff, v26;
	v55 =	vshll.u32 v24, $0x3;
	v24 =	vand.u32 $0x7F, v24;
	vm15 =	vgt.s32 v28, $0x0;
	v58 =	vpop (erf)  }
0x18d: {  	[tilespmem:v19+s13+$0x0] =	vst.idx.add.f32.msk $0xffff, v47;
	v27 =	vand.u32 $0xFFFFFC00, v55;
	v28 =	vnsel vm15, $0x0, v28;
	v31 =	vadd.f32 $1.000000000e+00, v58  }
0x18e: {  	[tilespmem:v60+s13+$0x0] =	vst.idx.add.f32.msk $0xffff, v1;
	v26 =	vor.u32 v50, v52;
	v24 =	vor.u32 v24, v27;
	v28 =	vmin.u32 v28, $0x21  }
0x18f: {  	[tilespmem:v62+s13+$0x0] =	vst.idx.add.f32.msk $0xffff, v33;
	v24 =	vadd.s32 v2, v24;
	v28 =	vadd.s32 v30, v28;
	(erf) = vrcp.f32 v31  }
0x190: {  	[tilespmem:v57+s13+$0x0] =	vst.idx.add.f32.msk $0xffff, v1;
	v60 =	vshll.u32 v28, $0x3;
	v61 =	vand.u32 $0x7F, v28;
	v28 =	vadd.s32 $0x22, v28  }
0x191: {  	[tilespmem:v18+s13+$0x0] =	vst.idx.add.f32.msk $0xffff, v41;
	v18 =	vadd.s32 v2, v26;
	v23 =	vand.u32 $0xFFFFFC00, v60;
	v62 =	vshll.u32 v28, $0x3  }
0x192: {  	[tilespmem:v63+s13+$0x0] =	vst.idx.add.f32.msk $0xffff, v1;
	v63 =	vand.u32 $0x7F, v28;
	v23 =	vor.u32 v61, v23;
	v26 =	vand.u32 $0xFFFFFC00, v62  }
0x193: {  	s21 =	sadd.s32 $0x10, s21;
	[tilespmem:v22+s13+$0x0] =	vst.idx.add.f32.msk $0xffff, v1;
	v19 =	vor.u32 v63, v26;
	v23 =	vadd.s32 v2, v23  }
0x194: {  	p0 =	slt.u32 s21, $0x60;
	[tilespmem:v59+s13+$0x0] =	vst.idx.add.f32.msk $0xffff, v20;
	v19 =	vadd.s32 v2, v19  }
.Ltmp1:
0x195: {  	[tilespmem:v54+s13+$0x0] =	vst.idx.add.f32.msk $0xffff, v37;
	(pc) =	sbr.rel @p0 .LBB2_5-.Ltmp1, $4  }
0x196: {  	[tilespmem:v18+s13+$0x0] =	vst.idx.add.f32.msk $0xffff, v1  }
0x197: {  	[tilespmem:v24+s13+$0x0] =	vst.idx.add.f32.msk $0xffff, v56  }
0x198: {  	[tilespmem:v23+s13+$0x0] =	vst.idx.add.f32.msk $0xffff, v1;
	v18 =	vpop (erf)  }
0x199: {  	s22 =	sadd.s32 $0x400, s22;
	[tilespmem:v19+s13+$0x0] =	vst.idx.add.f32.msk $0xffff, v18  }
0x19a: {  	s0 =	sadd.s32 $0x700, s20  }
0x19b: {  	s2 =	sadd.s32 $0x1700, s20;
	v6 =	vmov s0  }
0x19c: {  	v7 =	vmov s2  }
0x19d: {  	s3 =	sadd.s32 $0x2700, s20;
	s4 =	sadd.s32 $0x3700, s20  }
0x19e: {  	s0 =	simm.s32 $0x0;
	v8 =	vmov s3;
	v9 =	vmov s4  }
.LBB2_7:
0x19f: {  	s2 =	sshra.s32 s0, $0x2  }
0x1a0: {  	v10 =	vld.idx.msk [tilespmem:v6+s2+$0x0 ss:$0x1], $0xffff  }
0x1a1: {  	v11 =	vld.idx.msk [tilespmem:v7+s2+$0x0 ss:$0x1], $0xffff;
	_ =	sdelay $0x1  }
0x1a2: {  	v12 =	vld.idx.msk [tilespmem:v8+s2+$0x0 ss:$0x1], $0xffff;
	_ =	sdelay $0x2  }
0x1a3: {  	v10 =	vmul.f32 v10, v3;
	v11 =	vmul.f32 v11, v4;
	_ =	sdelay $0x1  }
0x1a4: {  	v10 =	vadd.f32 v11, v10;
	v11 =	vmul.f32 v12, v5;
	_ =	sdelay $0x1  }
0x1a5: {  	v10 =	vadd.f32 v11, v10;
	_ =	sdelay $0x1  }
0x1a6: {  	v10 =	vmul.f32 $1.409090900e+01, v10;
	_ =	sdelay $0x1  }
0x1a7: {  	v10 =	vadd.f32 $1.550000000e+01, v10;
	_ =	sdelay $0x1  }
0x1a8: {  	v11 =	vadd.f32 $1.285000000e+02, v10;
	_ =	sdelay $0x1  }
0x1a9: {  	v11 =	vtrunc.f32 v11  }
0x1aa: {  	v11 =	vcvt.f32.s32 v11;
	_ =	sdelay $0x1  }
0x1ab: {  	v59 =	vcvt.s32.f32 v11;
	_ =	sdelay $0x1  }
0x1ac: {  	v12 =	vadd.f32 $-1.280000000e+02, v59;
	_ =	sdelay $0x1  }
0x1ad: {  	v10 =	vsub.f32 v10, v12;
	_ =	sdelay $0x1  }
0x1ae: {  	v10 =	vmul.f32 $3.548387150e+01, v10;
	_ =	sdelay $0x1  }
0x1af: {  	v10 =	vmul.f32 $1.442695020e+00, v10;
	_ =	sdelay $0x1  }
0x1b0: {  	(erf) = vpow2.f32 v10;
	_ =	sdelay $0x4  }
0x1b1: {  	v10 =	vld.idx.msk [tilespmem:v9+s2+$0x0 ss:$0x1], $0xffff;
	_ =	sdelay $0x2  }
0x1b2: {  	v11 =	vadd.s32 $0xFFFFFF81, v11  }
0x1b3: {  	vm0 =	vgt.s32 v11, $0x0;
	v60 =	vpop (erf)  }
0x1b4: {  	v11 =	vnsel vm0, $0x0, v11;
	v10 =	vmul.u32 $0x44, v10;
	v12 =	vadd.f32 $1.000000000e+00, v60  }
0x1b5: {  	v11 =	vmin.u32 v11, $0x21  }
0x1b6: {  	v10 =	vadd.s32 v10, v11;
	(erf) = vrcp.f32 v12  }
0x1b7: {  	v11 =	vshll.u32 v10, $0x3;
	v61 =	vadd.s32 $0x22, v10  }
0x1b8: {  	v10 =	vand.u32 $0x7F, v10;
	v11 =	vand.u32 $0xFFFFFC00, v11;
	v13 =	vshll.u32 v61, $0x3  }
0x1b9: {  	v10 =	vor.u32 v10, v11;
	v11 =	vand.u32 $0x7F, v61;
	v62 =	vand.u32 $0xFFFFFC00, v13  }
0x1ba: {  	v10 =	vadd.s32 v2, v10;
	v11 =	vor.u32 v11, v62  }
0x1bb: {  	p0 =	seq.s32 s0, $0x300;
	v11 =	vadd.s32 v2, v11  }
.Ltmp2:
0x1bc: {  	_ = 	snop;
	(pc) =	sbr.rel @!p0 .LBB2_7-.Ltmp2, $3  }
0x1bd: {  	_ =	sdelay $0x1  }
0x1be: {  	[tilespmem:v10+s13+$0x0] =	vst.idx.add.f32.msk $0xffff, v1;
	v63 =	vpop (erf)  }
0x1bf: {  	s0 =	sadd.s32 $0x40, s0;
	[tilespmem:v11+s13+$0x0] =	vst.idx.add.f32.msk $0xffff, v63  }
0x1c0: {  	p0 =	seq.s32 s1, $0x19  }
.Ltmp3:
0x1c1: {  	_ = 	snop;
	(pc) =	sbr.rel @!p0 .LBB2_4-.Ltmp3, $1  }
0x1c2: {  	_ =	sdelay $0x3  }
0x1c3: {  	s21 =	simm.s32 $0x0  }
0x1c4: {  	s0 =	sand.u32 $0x40, s21;
	s1 =	sand.u32 $0xFC00, s21  }
0x1c5: {  	s2 =	sadd.s32 $0x4080, s1;
	s20 =	sor.u32 $0x30, s0  }
0x1c6: {  	s3 =	sor.u32 s20, s2  }
0x1c7: {  	v12 =	vld [tilespmem:s3+$0x0]  }
0x1c8: {  	s4 =	sor.u32 s0, s2;
	v13 =	vld [tilespmem:s3+$0x80]  }
0x1c9: {  	v14 =	vld [tilespmem:s4+$0x0]  }
0x1ca: {  	v15 =	vld [tilespmem:s3+$0x100]  }
0x1cb: {  	s22 =	sor.u32 $0x10, s0;
	v16 =	vld [tilespmem:s4+$0x80]  }
0x1cc: {  	s5 =	sor.u32 s22, s2;
	v17 =	vld [tilespmem:s3+$0x180]  }
0x1cd: {  	v18 =	vld [tilespmem:s5+$0x0]  }
0x1ce: {  	v19 =	vld [tilespmem:s3+$0x200]  }
0x1cf: {  	s23 =	sor.u32 $0x20, s0;
	v20 =	vld [tilespmem:s5+$0x80]  }
0x1d0: {  	s2 =	sor.u32 s23, s2;
	v21 =	vld [tilespmem:s3+$0x280]  }
0x1d1: {  	v22 =	vld [tilespmem:s2+$0x0]  }
0x1d2: {  	v23 =	vld [tilespmem:s3+$0x300]  }
0x1d3: {  	v24 =	vld [tilespmem:s2+$0x80]  }
0x1d4: {  	s6 =	sadd.s32 $0xCC80, s1;
	v11 =	vld [tilespmem:s3+$0x380]  }
0x1d5: {  	s9 =	sadd.s32 $0xCE00, s1;
	s16 =	sor.u32 s20, s6;
	v25 =	vld [tilespmem:s4+$0x100]  }
0x1d6: {  	s19 =	sor.u32 s20, s9;
	v10 =	vld [tilespmem:s16+$0x0]  }
0x1d7: {  	s7 =	sadd.s32 $0xCD00, s1;
	v3 =	vld [tilespmem:s19+$0x0]  }
0x1d8: {  	s17 =	sor.u32 s20, s7;
	v26 =	vld [tilespmem:s5+$0x100]  }
0x1d9: {  	s8 =	sadd.s32 $0xCD80, s1;
	v8 =	vld [tilespmem:s17+$0x0]  }
0x1da: {  	s18 =	sor.u32 s20, s8;
	v27 =	vld [tilespmem:s2+$0x100]  }
0x1db: {  	s10 =	sadd.s32 $0xCE80, s1;
	v9 =	vld [tilespmem:s18+$0x0]  }
0x1dc: {  	s24 =	sor.u32 s20, s10;
	v28 =	vld [tilespmem:s4+$0x180];
	[tilespmem:$0x1FFB0] =	vst v3  }
0x1dd: {  	v3 =	vld [tilespmem:s24+$0x0];
	_ =	sdelay $0x3  }
0x1de: {  	s11 =	sadd.s32 $0xCF00, s1  }
0x1df: {  	s25 =	sor.u32 s20, s11;
	v29 =	vld [tilespmem:s5+$0x180];
	[tilespmem:$0x1FFC0] =	vst v3  }
0x1e0: {  	v3 =	vld [tilespmem:s25+$0x0];
	_ =	sdelay $0x3  }
0x1e1: {  	s12 =	sadd.s32 $0xCF80, s1  }
0x1e2: {  	s26 =	sor.u32 s20, s12;
	v30 =	vld [tilespmem:s2+$0x180];
	[tilespmem:$0x1FFD0] =	vst v3  }
0x1e3: {  	v3 =	vld [tilespmem:s26+$0x0];
	_ =	sdelay $0x3  }
0x1e4: {  	s1 =	sadd.s32 $0xD000, s1  }
0x1e5: {  	s28 =	sor.u32 s20, s1;
	v31 =	vld [tilespmem:s4+$0x200];
	[tilespmem:$0x1FFE0] =	vst v3  }
0x1e6: {  	v3 =	vld [tilespmem:s28+$0x0];
	_ =	sdelay $0x4  }
0x1e7: {  	v32 =	vld [tilespmem:s5+$0x200];
	[tilespmem:$0x1FFF0] =	vst v3  }
0x1e8: {  	v33 =	vld [tilespmem:s2+$0x200]  }
0x1e9: {  	v34 =	vld [tilespmem:s4+$0x280]  }
0x1ea: {  	v35 =	vld [tilespmem:s5+$0x280]  }
0x1eb: {  	v36 =	vld [tilespmem:s2+$0x280]  }
0x1ec: {  	v37 =	vld [tilespmem:s4+$0x300]  }
0x1ed: {  	v38 =	vld [tilespmem:s5+$0x300]  }
0x1ee: {  	v39 =	vld [tilespmem:s2+$0x300]  }
0x1ef: {  	v40 =	vld [tilespmem:s4+$0x380]  }
0x1f0: {  	v41 =	vld [tilespmem:s5+$0x380]  }
0x1f1: {  	s29 =	sor.u32 s0, s6;
	v42 =	vld [tilespmem:s2+$0x380]  }
0x1f2: {  	s14 =	sor.u32 s22, s7;
	v43 =	vld [tilespmem:s29+$0x0]  }
0x1f3: {  	s15 =	sor.u32 s23, s7;
	v47 =	vld [tilespmem:s14+$0x0]  }
0x1f4: {  	s16 =	sor.u32 s0, s8;
	v48 =	vld [tilespmem:s15+$0x0]  }
0x1f5: {  	s17 =	sor.u32 s22, s8;
	v49 =	vld [tilespmem:s16+$0x0]  }
0x1f6: {  	s18 =	sor.u32 s23, s8;
	v50 =	vld [tilespmem:s17+$0x0]  }
0x1f7: {  	s19 =	sor.u32 s0, s9;
	v51 =	vld [tilespmem:s18+$0x0]  }
0x1f8: {  	s24 =	sor.u32 s22, s9;
	v52 =	vld [tilespmem:s19+$0x0]  }
0x1f9: {  	s25 =	sor.u32 s23, s9;
	v53 =	vld [tilespmem:s24+$0x0]  }
0x1fa: {  	s26 =	sor.u32 s0, s10;
	v54 =	vld [tilespmem:s25+$0x0]  }
0x1fb: {  	s28 =	sor.u32 s22, s10;
	v55 =	vld [tilespmem:s26+$0x0]  }
0x1fc: {  	s8 =	sor.u32 s22, s12;
	v56 =	vld [tilespmem:s28+$0x0]  }
0x1fd: {  	s9 =	sor.u32 s23, s12;
	v62 =	vld [tilespmem:s8+$0x0]  }
0x1fe: {  	s4 =	sor.u32 s22, s6;
	v63 =	vld [tilespmem:s9+$0x0]  }
0x1ff: {  	s5 =	sor.u32 s23, s6;
	v44 =	vld [tilespmem:s4+$0x0]  }
0x200: {  	s6 =	sor.u32 s0, s7;
	v45 =	vld [tilespmem:s5+$0x0]  }
0x201: {  	s29 =	sor.u32 s23, s10;
	v46 =	vld [tilespmem:s6+$0x0]  }
0x202: {  	s7 =	sor.u32 s0, s12;
	v57 =	vld [tilespmem:s29+$0x0]  }
0x203: {  	s15 =	sor.u32 s23, s1;
	v61 =	vld [tilespmem:s7+$0x0]  }
0x204: {  	v12 =	vadd.f32 v13, v12;
	s4 =	sor.u32 s0, s11;
	v13 =	vld [tilespmem:s15+$0x0]  }
0x205: {  	s5 =	sor.u32 s22, s11;
	v58 =	vld [tilespmem:s4+$0x0]  }
0x206: {  	s10 =	simm.s32 $0x200;
	s25 =	simm.s32 $0x40;
	s6 =	sor.u32 s23, s11;
	v59 =	vld [tilespmem:s5+$0x0]  }
0x207: {  	s0 =	sor.u32 s0, s1;
	s26 =	sand.u32 $0x40, s25;
	s12 =	sand.u32 $0xFC00, s10;
	v60 =	vld [tilespmem:s6+$0x0]  }
0x208: {  	s11 =	sor.u32 s22, s1;
	v7 =	vld [tilespmem:s0+$0x0];
	s16 =	sadd.s32 $0x4080, s12;
	s24 =	sor.u32 $0x30, s26  }
0x209: {  	v6 =	vld [tilespmem:s11+$0x0];
	s17 =	sor.u32 s24, s16  }
0x20a: {  	v3 =	vld [tilespmem:s17+$0x0]  }
0x20b: {  	v12 =	vadd.f32 v15, v12;
	s18 =	sor.u32 s26, s16;
	v15 =	vld [tilespmem:s17+$0x80]  }
0x20c: {  	v5 =	vld [tilespmem:s18+$0x0]  }
0x20d: {  	v12 =	vadd.f32 v17, v12;
	v17 =	vld [tilespmem:s17+$0x100]  }
0x20e: {  	v4 =	vld [tilespmem:s17+$0x180]  }
0x20f: {  	v12 =	vadd.f32 v19, v12;
	v19 =	vld [tilespmem:s17+$0x200]  }
0x210: {  	v14 =	vadd.f32 v16, v14;
	v16 =	vld [tilespmem:s17+$0x280]  }
0x211: {  	v18 =	vadd.f32 v20, v18;
	v12 =	vadd.f32 v21, v12;
	s19 =	sadd.s32 $0xCC80, s12;
	v20 =	vld [tilespmem:s17+$0x300]  }
0x212: {  	v24 =	vadd.f32 v24, v22;
	s11 =	sadd.s32 $0xCD00, s12;
	s3 =	sor.u32 s24, s19;
	v22 =	vld [tilespmem:s17+$0x380]  }
0x213: {  	v18 =	vadd.f32 v26, v18;
	v12 =	vadd.f32 v23, v12;
	s10 =	sadd.s32 $0xCD80, s12;
	s5 =	sor.u32 s24, s11;
	v23 =	vld [tilespmem:s3+$0x0]  }
0x214: {  	v21 =	vadd.f32 v27, v24;
	s0 =	sadd.s32 $0xCE80, s12;
	s6 =	sor.u32 s24, s10;
	v24 =	vld [tilespmem:s5+$0x0]  }
0x215: {  	v29 =	vadd.f32 v29, v18;
	v11 =	vadd.f32 v11, v12;
	s31 =	sadd.s32 $0xCF00, s12;
	s8 =	sor.u32 s24, s0;
	v18 =	vld [tilespmem:s6+$0x0]  }
0x216: {  	v14 =	vadd.f32 v25, v14;
	s9 =	sor.u32 s24, s31;
	v12 =	vld [tilespmem:s8+$0x0]  }
0x217: {  	v10 =	vadd.f32 v10, v11;
	s30 =	sor.u32 $0x10, s26;
	v11 =	vld [tilespmem:s9+$0x0]  }
0x218: {  	v14 =	vadd.f32 v28, v14;
	s15 =	sor.u32 s30, s16;
	v27 =	vld [tilespmem:s18+$0x80]  }
0x219: {  	v28 =	vld [tilespmem:s15+$0x0]  }
0x21a: {  	v31 =	vadd.f32 v31, v14;
	v32 =	vadd.f32 v32, v29;
	s29 =	sadd.s32 $0xCF80, s12;
	v29 =	vld [tilespmem:s15+$0x80]  }
0x21b: {  	v21 =	vadd.f32 v30, v21;
	s28 =	sadd.s32 $0xD000, s12;
	s14 =	sor.u32 s24, s29;
	v30 =	vld [tilespmem:s18+$0x100]  }
0x21c: {  	s4 =	sor.u32 s24, s28;
	v25 =	vadd.f32 v34, v31;
	v34 =	vadd.f32 v8, v10;
	v10 =	vld [tilespmem:s14+$0x0]  }
0x21d: {  	v21 =	vadd.f32 v33, v21;
	v26 =	vadd.f32 v35, v32;
	v8 =	vld [tilespmem:s4+$0x0]  }
0x21e: {  	s3 =	sadd.s32 $0xCE00, s12;
	v32 =	vld [tilespmem:s18+$0x180];
	v25 =	vadd.f32 v37, v25  }
0x21f: {  	s7 =	sor.u32 s24, s3;
	v33 =	vld [tilespmem:s15+$0x180];
	v21 =	vadd.f32 v36, v21;
	v26 =	vadd.f32 v38, v26  }
0x220: {  	v14 =	vld [tilespmem:s7+$0x0];
	v25 =	vadd.f32 v40, v25  }
0x221: {  	v21 =	vadd.f32 v39, v21;
	v40 =	vld [tilespmem:$0x1FFB0];
	v26 =	vadd.f32 v41, v26  }
0x222: {  	s7 =	sor.u32 $0x20, s26;
	v3 =	vadd.f32 v15, v3;
	v25 =	vadd.f32 v43, v25;
	v43 =	vld [tilespmem:$0x1FFC0]  }
0x223: {  	v9 =	vadd.f32 v9, v34;
	s1 =	sor.u32 s7, s16;
	v26 =	vadd.f32 v44, v26;
	v44 =	vld [tilespmem:s15+$0x100]  }
0x224: {  	v21 =	vadd.f32 v42, v21;
	v3 =	vadd.f32 v17, v3;
	v42 =	vld [tilespmem:s1+$0x280]  }
0x225: {  	v5 =	vadd.f32 v27, v5;
	v25 =	vadd.f32 v46, v25;
	v46 =	vld [tilespmem:$0x1FFD0]  }
0x226: {  	v21 =	vadd.f32 v45, v21;
	v3 =	vadd.f32 v4, v3;
	v4 =	vld [tilespmem:s1+$0x80]  }
0x227: {  	s17 =	sor.u32 s30, s19;
	v41 =	vadd.f32 v29, v28;
	v5 =	vadd.f32 v30, v5;
	v45 =	vld [tilespmem:s1+$0x380]  }
0x228: {  	v26 =	vadd.f32 v47, v26;
	v47 =	vld [tilespmem:s17+$0x0];
	v21 =	vadd.f32 v48, v21  }
0x229: {  	v5 =	vadd.f32 v32, v5;
	v9 =	vadd.f32 v40, v9;
	v48 =	vld [tilespmem:s18+$0x200]  }
0x22a: {  	v25 =	vadd.f32 v49, v25;
	v49 =	vld [tilespmem:$0x1FFE0];
	v21 =	vadd.f32 v51, v21  }
0x22b: {  	v26 =	vadd.f32 v50, v26;
	v50 =	vld [tilespmem:s15+$0x200];
	v9 =	vadd.f32 v43, v9  }
0x22c: {  	v43 =	vld [tilespmem:s1+$0x300];
	v25 =	vadd.f32 v52, v25;
	v21 =	vadd.f32 v54, v21  }
0x22d: {  	v3 =	vadd.f32 v19, v3;
	v51 =	vld [tilespmem:s18+$0x280];
	v26 =	vadd.f32 v53, v26  }
0x22e: {  	v52 =	vld [tilespmem:$0x1FFF0];
	v25 =	vadd.f32 v55, v25;
	v21 =	vadd.f32 v57, v21  }
0x22f: {  	v44 =	vadd.f32 v44, v41;
	v53 =	vld [tilespmem:s15+$0x280];
	v26 =	vadd.f32 v56, v26  }
0x230: {  	s16 =	sor.u32 s26, s19;
	v25 =	vadd.f32 v58, v25;
	v58 =	vadd.f32 v60, v21;
	v60 =	vld [tilespmem:s1+$0x0]  }
0x231: {  	v3 =	vadd.f32 v16, v3;
	v9 =	vadd.f32 v46, v9;
	v46 =	vld [tilespmem:s16+$0x0]  }
0x232: {  	v26 =	vadd.f32 v59, v26;
	v59 =	vadd.f32 v61, v25;
	v61 =	vld [tilespmem:s1+$0x100]  }
0x233: {  	v54 =	vld [tilespmem:s18+$0x300];
	v3 =	vadd.f32 v20, v3;
	v20 =	vadd.f32 v33, v44  }
0x234: {  	v9 =	vadd.f32 v49, v9;
	v26 =	vadd.f32 v62, v26;
	v62 =	vld [tilespmem:s1+$0x180]  }
0x235: {  	v55 =	vld [tilespmem:s18+$0x380];
	v5 =	vadd.f32 v48, v5;
	v4 =	vadd.f32 v4, v60  }
0x236: {  	v3 =	vadd.f32 v22, v3;
	v17 =	vadd.f32 v63, v58;
	v63 =	vld [tilespmem:s1+$0x200]  }
0x237: {  	v56 =	vld [tilespmem:s15+$0x300];
	s18 =	sor.u32 s7, s19;
	v20 =	vadd.f32 v50, v20;
	v4 =	vadd.f32 v61, v4  }
0x238: {  	s19 =	sor.u32 s26, s11;
	v48 =	vld [tilespmem:s18+$0x0];
	v9 =	vadd.f32 v52, v9;
	v5 =	vadd.f32 v51, v5  }
0x239: {  	v49 =	vld [tilespmem:s19+$0x0];
	v3 =	vadd.f32 v23, v3;
	v4 =	vadd.f32 v62, v4  }
0x23a: {  	s2 =	sor.u32 s30, s11;
	v57 =	vld [tilespmem:s15+$0x380];
	v51 =	vadd.f32 v53, v20;
	v5 =	vadd.f32 v54, v5  }
0x23b: {  	s4 =	sor.u32 s7, s11;
	v50 =	vld [tilespmem:s2+$0x0];
	v7 =	vadd.f32 v7, v59;
	v4 =	vadd.f32 v63, v4  }
0x23c: {  	s5 =	sor.u32 s26, s10;
	v52 =	vld [tilespmem:s4+$0x0];
	v6 =	vadd.f32 v6, v26;
	v3 =	vadd.f32 v24, v3  }
0x23d: {  	s6 =	sor.u32 s30, s10;
	v53 =	vld [tilespmem:s5+$0x0];
	v13 =	vadd.f32 v13, v17;
	v4 =	vadd.f32 v42, v4  }
0x23e: {  	s11 =	sor.u32 s7, s3;
	v54 =	vld [tilespmem:s6+$0x0];
	v3 =	vadd.f32 v18, v3;
	v17 =	vadd.f32 v56, v51  }
0x23f: {  	s8 =	sor.u32 s7, s10;
	v59 =	vld [tilespmem:s11+$0x0];
	v5 =	vadd.f32 v55, v5;
	v4 =	vadd.f32 v43, v4  }
0x240: {  	s9 =	sor.u32 s26, s3;
	v55 =	vld [tilespmem:s8+$0x0];
	v3 =	vadd.f32 v14, v3;
	v17 =	vadd.f32 v57, v17  }
0x241: {  	s12 =	sor.u32 s26, s0;
	v56 =	vld [tilespmem:s9+$0x0];
	v5 =	vadd.f32 v46, v5;
	v4 =	vadd.f32 v45, v4  }
0x242: {  	s10 =	sor.u32 s30, s3;
	v60 =	vld [tilespmem:s12+$0x0];
	v3 =	vadd.f32 v12, v3;
	v58 =	vadd.f32 v47, v17  }
0x243: {  	s14 =	sand.u32 $0x1F80, s21;
	s15 =	sor.u32 s30, s0;
	v57 =	vld [tilespmem:s10+$0x0];
	v5 =	vadd.f32 v49, v5;
	v4 =	vadd.f32 v48, v4  }
0x244: {  	s16 =	sadd.s32 $0x15880, s14;
	s0 =	sor.u32 s7, s0;
	v61 =	vld [tilespmem:s15+$0x0];
	v3 =	vadd.f32 v11, v3;
	v11 =	vadd.f32 v50, v58  }
0x245: {  	s13 =	simm.s32 $0x15880;
	s17 =	sor.u32 s26, s31;
	s1 =	sor.u32 s20, s16;
	v5 =	vadd.f32 v53, v5;
	v62 =	vld [tilespmem:s0+$0x0];
	v4 =	vadd.f32 v52, v4  }
0x246: {  	s21 =	sor.u32 s26, s29;
	s18 =	sor.u32 s23, s16;
	s23 =	sor.u32 s7, s29;
	[tilespmem:s1+$0x0] =	vst v9;
	v63 =	vld [tilespmem:s17+$0x0];
	v10 =	vadd.f32 v10, v3;
	v11 =	vadd.f32 v54, v11  }
0x247: {  	s19 =	sor.u32 s30, s31;
	s2 =	sor.u32 s22, s16;
	s22 =	sor.u32 s30, s29;
	[tilespmem:s13+$0x0] =	vst v7;
	v7 =	vld [tilespmem:s23+$0x0];
	v5 =	vadd.f32 v56, v5;
	v9 =	vadd.f32 v55, v4  }
0x248: {  	s20 =	sor.u32 s7, s31;
	[tilespmem:s2+$0x0] =	vst v6;
	s10 =	sor.u32 s26, s28;
	s26 =	sand.u32 $0x1F80, s25;
	v8 =	vadd.f32 v8, v10;
	v6 =	vadd.f32 v57, v11;
	v4 =	vld [tilespmem:s19+$0x0]  }
0x249: {  	s11 =	sor.u32 s30, s28;
	s31 =	sor.u32 s7, s28;
	s29 =	sadd.s32 $0x15880, s26;
	v11 =	vadd.f32 v60, v5;
	v5 =	vld [tilespmem:s21+$0x0];
	v9 =	vadd.f32 v59, v9  }
0x24a: {  	[tilespmem:s18+$0x0] =	vst v13;
	s30 =	sor.u32 s30, s29;
	s2 =	sor.u32 s24, s29;
	s0 =	sor.u32 s7, s29;
	v3 =	vld [tilespmem:s20+$0x0];
	v10 =	vadd.f32 v61, v6  }
0x24b: {  	s20 =	simm.s32 $0x4;
	s21 =	simm.s32 $0x400;
	v6 =	vld [tilespmem:s22+$0x0];
	[tilespmem:s2+$0x0] =	vst v8;
	v8 =	vadd.f32 v63, v11;
	s22 =	simm.s32 $0x80;
	v9 =	vadd.f32 v62, v9  }
.LBB2_10:
0x24c: {  	s3 =	sand.u32 $0x40, s22;
	s12 =	sand.u32 $0xFC00, s21;
	v11 =	vld [tilespmem:s10+$0x0]  }
0x24d: {  	s1 =	sadd.s32 $0x4080, s12;
	s23 =	sor.u32 $0x30, s3;
	v4 =	vadd.f32 v4, v10;
	v10 =	vld [tilespmem:s11+$0x0]  }
0x24e: {  	s2 =	sor.u32 s23, s1;
	v5 =	vadd.f32 v5, v8;
	v8 =	vld [tilespmem:s31+$0x0]  }
0x24f: {  	v3 =	vadd.f32 v3, v9;
	v9 =	vld [tilespmem:s2+$0x0]  }
0x250: {  	s26 =	sor.u32 s3, s1;
	v4 =	vadd.f32 v6, v4;
	v6 =	vld [tilespmem:s2+$0x80]  }
0x251: {  	v3 =	vadd.f32 v7, v3;
	v7 =	vld [tilespmem:s26+$0x0]  }
0x252: {  	v5 =	vadd.f32 v11, v5;
	v11 =	vld [tilespmem:s2+$0x100]  }
0x253: {  	s13 =	sadd.s32 $0x40, s13;
	v4 =	vadd.f32 v10, v4;
	v10 =	vld [tilespmem:s26+$0x80]  }
0x254: {  	[tilespmem:s13+$0x0] =	vst v5;
	v3 =	vadd.f32 v8, v3;
	v5 =	vld [tilespmem:s2+$0x180]  }
0x255: {  	v62 =	vld [tilespmem:s26+$0x300]  }
0x256: {  	s28 =	sor.u32 $0x10, s3;
	[tilespmem:s0+$0x0] =	vst v3;
	v3 =	vld [tilespmem:s2+$0x200]  }
0x257: {  	s24 =	sor.u32 s28, s1;
	[tilespmem:s30+$0x0] =	vst v4;
	v6 =	vadd.f32 v6, v9;
	v9 =	vld [tilespmem:s2+$0x280]  }
0x258: {  	v4 =	vld [tilespmem:s24+$0x0]  }
0x259: {  	s29 =	sor.u32 $0x20, s3;
	v8 =	vld [tilespmem:s24+$0x80]  }
0x25a: {  	s25 =	sor.u32 s29, s1;
	v12 =	vld [tilespmem:s24+$0x100];
	v6 =	vadd.f32 v11, v6  }
0x25b: {  	v11 =	vld [tilespmem:s25+$0x80]  }
0x25c: {  	v7 =	vadd.f32 v10, v7;
	v10 =	vld [tilespmem:s25+$0x0];
	v5 =	vadd.f32 v5, v6  }
0x25d: {  	v6 =	vld [tilespmem:s2+$0x300]  }
0x25e: {  	v3 =	vadd.f32 v3, v5;
	v5 =	vld [tilespmem:s2+$0x380]  }
0x25f: {  	s6 =	sadd.s32 $0xCC80, s12;
	v4 =	vadd.f32 v8, v4;
	v8 =	vld [tilespmem:s26+$0x100]  }
0x260: {  	s10 =	sadd.s32 $0xCD00, s12;
	s9 =	sor.u32 s23, s6;
	v60 =	vld [tilespmem:s24+$0x180];
	v3 =	vadd.f32 v9, v3  }
0x261: {  	s15 =	sor.u32 s23, s10;
	v9 =	vld [tilespmem:s9+$0x0]  }
0x262: {  	s16 =	sadd.s32 $0xCD80, s12;
	s4 =	sadd.s32 $0xCE00, s12;
	s7 =	sor.u32 s3, s6;
	v3 =	vadd.f32 v6, v3;
	v6 =	vadd.f32 v11, v10;
	v10 =	vld [tilespmem:s15+$0x0]  }
0x263: {  	s8 =	sor.u32 s28, s6;
	s14 =	sor.u32 s28, s10;
	s2 =	sor.u32 s23, s16;
	v11 =	vld [tilespmem:s25+$0x100]  }
0x264: {  	s17 =	sor.u32 s29, s10;
	s18 =	sor.u32 s3, s16;
	[dreg:$0xf] =	wrdreg s7;
	v3 =	vadd.f32 v5, v3;
	v5 =	vadd.f32 v8, v7;
	v7 =	vld [tilespmem:s2+$0x0]  }
0x265: {  	s19 =	sor.u32 s28, s16;
	s5 =	sor.u32 s23, s4;
	[dreg:$0xd] =	wrdreg s14;
	v8 =	vld [tilespmem:s26+$0x180]  }
0x266: {  	[dreg:$0x11] =	wrdreg s19;
	s7 =	sor.u32 s3, s4;
	s14 =	sor.u32 s28, s4;
	v61 =	vld [tilespmem:s24+$0x200];
	v3 =	vadd.f32 v9, v3  }
0x267: {  	s11 =	sor.u32 s3, s10;
	s0 =	sor.u32 s29, s6;
	s6 =	sadd.s32 $0xCE80, s12;
	v9 =	vld [tilespmem:s5+$0x0]  }
0x268: {  	[dreg:$0x10] =	wrdreg s11;
	s11 =	sadd.s32 $0xCF00, s12;
	s10 =	sor.u32 s23, s6;
	v6 =	vadd.f32 v11, v6;
	v11 =	vld [tilespmem:s25+$0x180];
	v3 =	vadd.f32 v10, v3  }
0x269: {  	s19 =	sor.u32 s28, s11;
	s30 =	sadd.s32 $0xD000, s12;
	s9 =	sor.u32 s29, s16;
	v10 =	vld [tilespmem:s10+$0x0]  }
0x26a: {  	s15 =	sor.u32 s29, s4;
	s4 =	sor.u32 s23, s11;
	s10 =	sadd.s32 $0xCF80, s12;
	v5 =	vadd.f32 v8, v5;
	v8 =	vld [tilespmem:s26+$0x200];
	v3 =	vadd.f32 v7, v3  }
0x26b: {  	s2 =	sor.u32 s29, s11;
	s5 =	sor.u32 s3, s11;
	s11 =	sor.u32 s23, s10;
	v7 =	vld [tilespmem:s4+$0x0]  }
0x26c: {  	s16 =	sor.u32 s3, s6;
	s1 =	sor.u32 s3, s10;
	s12 =	sor.u32 s29, s10;
	v3 =	vadd.f32 v9, v3;
	v9 =	vld [tilespmem:s11+$0x0]  }
0x26d: {  	s4 =	sor.u32 s28, s10;
	s10 =	sor.u32 s3, s30;
	s3 =	sor.u32 s23, s30;
	v6 =	vadd.f32 v11, v6;
	v11 =	vld [tilespmem:s25+$0x200]  }
0x26e: {  	v3 =	vadd.f32 v10, v3;
	v10 =	vld [tilespmem:s3+$0x0];
	s3 =	sand.u32 $0x1F80, s22  }
0x26f: {  	[dreg:$0xe] =	wrdreg s0;
	v63 =	vld [tilespmem:s5+$0x0];
	s3 =	sadd.s32 $0x15880, s3  }
0x270: {  	s31 =	sor.u32 s29, s30;
	s11 =	sor.u32 s28, s30;
	v3 =	vadd.f32 v7, v3;
	v7 =	vld [tilespmem:s26+$0x280];
	s30 =	sor.u32 s28, s3  }
0x271: {  	v4 =	vadd.f32 v12, v4;
	v5 =	vadd.f32 v8, v5;
	v8 =	vld [tilespmem:s24+$0x280];
	s0 =	sor.u32 s29, s3;
	s3 =	sor.u32 s23, s3;
	s23 =	rddreg [dreg:$0xf]  }
0x272: {  	v6 =	vadd.f32 v11, v6;
	v11 =	vld [tilespmem:s23+$0x0];
	v3 =	vadd.f32 v9, v3  }
0x273: {  	v4 =	vadd.f32 v60, v4;
	v9 =	vld [tilespmem:s25+$0x280]  }
0x274: {  	v3 =	vadd.f32 v10, v3;
	v10 =	vld [tilespmem:s24+$0x300]  }
0x275: {  	v4 =	vadd.f32 v61, v4;
	v5 =	vadd.f32 v7, v5;
	v7 =	vld [tilespmem:s25+$0x300]  }
0x276: {  	[tilespmem:s3+$0x0] =	vst v3;
	v3 =	vld [tilespmem:s26+$0x380]  }
0x277: {  	[dreg:$0xc] =	wrdreg s8;
	v4 =	vadd.f32 v8, v4;
	v8 =	vld [tilespmem:s24+$0x380]  }
0x278: {  	s24 =	rddreg [dreg:$0xc];
	v6 =	vadd.f32 v9, v6;
	v9 =	vld [tilespmem:s25+$0x380]  }
0x279: {  	s26 =	rddreg [dreg:$0x10];
	v5 =	vadd.f32 v62, v5;
	v4 =	vadd.f32 v10, v4;
	v10 =	vld [tilespmem:s24+$0x0]  }
0x27a: {  	s25 =	rddreg [dreg:$0xe];
	v6 =	vadd.f32 v7, v6;
	v7 =	vld [tilespmem:s26+$0x0]  }
0x27b: {  	s8 =	sor.u32 s28, s6;
	s28 =	rddreg [dreg:$0xd];
	v3 =	vadd.f32 v3, v5;
	v5 =	vld [tilespmem:s25+$0x0]  }
0x27c: {  	v4 =	vadd.f32 v8, v4;
	v8 =	vld [tilespmem:s28+$0x0]  }
0x27d: {  	v6 =	vadd.f32 v9, v6;
	v9 =	vld [tilespmem:s17+$0x0]  }
0x27e: {  	s6 =	sor.u32 s29, s6;
	s29 =	rddreg [dreg:$0x11];
	v3 =	vadd.f32 v11, v3;
	v11 =	vld [tilespmem:s18+$0x0]  }
0x27f: {  	v4 =	vadd.f32 v10, v4;
	v10 =	vld [tilespmem:s29+$0x0]  }
0x280: {  	v3 =	vadd.f32 v7, v3;
	v7 =	vld [tilespmem:s7+$0x0]  }
0x281: {  	v5 =	vadd.f32 v5, v6;
	v6 =	vld [tilespmem:s9+$0x0]  }
0x282: {  	v4 =	vadd.f32 v8, v4;
	v8 =	vld [tilespmem:s14+$0x0]  }
0x283: {  	v3 =	vadd.f32 v11, v3;
	v11 =	vld [tilespmem:s16+$0x0]  }
0x284: {  	v5 =	vadd.f32 v9, v5;
	v9 =	vld [tilespmem:s15+$0x0]  }
0x285: {  	s20 =	sadd.s32 $0x4, s20;
	v4 =	vadd.f32 v10, v4;
	v10 =	vld [tilespmem:s8+$0x0]  }
0x286: {  	p0 =	slt.u32 s20, $0x10C;
	v3 =	vadd.f32 v7, v3;
	v7 =	vld [tilespmem:s6+$0x0]  }
.Ltmp4:
0x287: {  	v5 =	vadd.f32 v6, v5;
	v6 =	vadd.f32 v8, v4;
	v4 =	vld [tilespmem:s19+$0x0];
	(pc) =	sbr.rel @p0 .LBB2_10-.Ltmp4, $4  }
0x288: {  	v11 =	vadd.f32 v11, v3;
	v3 =	vld [tilespmem:s2+$0x0]  }
0x289: {  	v8 =	vadd.f32 v9, v5;
	v5 =	vld [tilespmem:s1+$0x0]  }
0x28a: {  	v10 =	vadd.f32 v10, v6;
	v6 =	vld [tilespmem:s4+$0x0]  }
0x28b: {  	s21 =	sadd.s32 $0x200, s21;
	s22 =	sadd.s32 $0x40, s22;
	v9 =	vadd.f32 v7, v8;
	v8 =	vadd.f32 v63, v11;
	v7 =	vld [tilespmem:s12+$0x0]  }
0x28c: {  	v11 =	vld [tilespmem:s10+$0x0]  }
0x28d: {  	v12 =	vld [tilespmem:s11+$0x0]  }
0x28e: {  	v4 =	vadd.f32 v4, v10;
	v63 =	vld [tilespmem:s31+$0x0]  }
0x28f: {  	v3 =	vadd.f32 v3, v9;
	v5 =	vadd.f32 v5, v8  }
0x290: {  	v4 =	vadd.f32 v6, v4  }
0x291: {  	v3 =	vadd.f32 v7, v3;
	v5 =	vadd.f32 v11, v5  }
0x292: {  	s1 =	sadd.s32 $0x40, s13;
	v4 =	vadd.f32 v12, v4  }
0x293: {  	v3 =	vadd.f32 v63, v3;
	[tilespmem:s1+$0x0] =	vst v5  }
0x294: {  	[tilespmem:s30+$0x0] =	vst v4  }
0x295: {  	s7 =	simm.s32 $0x0;
	[tilespmem:s0+$0x0] =	vst v3  }
0x296: {  	s29 =	simm.s32 $0x15880;
	s2 =	simm.s32 $0x2;
	s0 =	rddreg [dreg:$0x1e]  }
0x297: {  	[hbm4b:s0+s7] =	stream.linear.scatter [tilespmem:s29], [sflag:$0x2], $0x1100, $0x38;
	[tilespmem:$0x16980] =	vst v63  }
0x298: {  	_ =	swait.ge [sflag:s2], $0x1100  }
0x299: {  	s30 =	sld [smem:$0x7FD];
	_ =	sdelay $0x2  }
0x29a: {  	s31 =	rddreg [dreg:$0x1f];
	s1 =	sadd.s32 $0x1, s30  }
0x29b: {  	p0 =	sne.s32 s1, s31  }
.Ltmp5:
0x29c: {  	_ = 	snop;
	(pc) =	sbr.rel @p0 .LBB2_1-.Ltmp5, $4  }
0x29d: {  	[sflag:s2] =	ssyncset.done $0x0;
	s8 =	rddreg [dreg:$0x1b]  }
0x29e: {  	s9 =	rddreg [dreg:$0x1c];
	[sflag:s2] =	ssyncadd.s32 $0xFFFFEF00  }
0x29f: {  	s5 =	rddreg [dreg:$0x1]  }
0x2a0: {  	s6 =	rddreg [dreg:$0x2]  }
0x2a1: {  	_ =	sfence.sel $0x180000  }
0x2a2: {  	[bflag:$0x0] =	sbarrier.arrive $0xFFFF  }
0x2a3: {  	_ =	strace $0x90000047  }
0x2a4: {  	s0 =	stileid.u32;
	[bflag:$0x2] =	sbarrier.arrive $0xFFFF  }
0x2a5: {  	p0 =	sne.s32 s0, $0x0;
	s0 =	rddreg [dreg:$0x3]  }
0x2a6: {  	s0 =	sadd.s32 @!p0 $0x100000, s0  }
0x2a7: {  	[sflag:s0] =	ssyncadd.tile.s32 @!p0 $0x1;
	_ =	shalt  }
.Lfunc_end2:
_tile_overlayer_lowered:
.L_overlay_start_2:
0x2a8: {  	(tag) =	ssettag $0x2  }
0x2a9: {  	s0 =	rddreg [dreg:$0x0];
	s2 =	stileid.u32  }
0x2aa: {  	s1 =	rddreg [dreg:$0x1];
	p0 =	sne.s32 s2, $0x0  }
0x2ab: {  	s3 =	rddreg [dreg:$0x2];
	[bflag:$0x3] =	sbarrier.arrive $0xFFFF;
	s2 =	simm.s32 @!p0 $0x1C02  }
0x2ac: {  	[timem:s3], [sflag:s2] =	dma.local @!p0 [hbm:s0], s1  }
0x2ad: {  	s0 =	simm.s32 @!p0 $0x2  }
0x2ae: {  	_ =	swait.ge @!p0 [sflag:s0], s1  }
0x2af: {  	s1 =	ssub.s32 @!p0 $0x0, s1;
	[sflag:s0] =	ssyncset.done @!p0 $0x0  }
0x2b0: {  	[sflag:s0] =	ssyncadd.s32 @!p0 s1  }
0x2b1: {  	[bflag:$0x3] =	sbarrier.arrive $0xFFFF  }
0x2b2: {  	_ =	shalt  }

</sc_bundles>
